<compile_context>
chip_gen: v7x
topology: tpu7x:2x2x1
jax: 0.10.2.dev20260603
libtpu: 0.0.44.dev20260713+nightly
codegen_flags: <defaults>
</compile_context>

<pallas_src>
import functools

import jax
import jax.numpy as jnp
from jax import lax
from jax.experimental import pallas as pl
from jax.experimental.pallas import tpu as pltpu
from jax.experimental.pallas import tpu_sc as plsc

N = 10000
E = 320000
H = 128
L = 3
BN_EPS = 1e-5
INV_STD = 1.0 / (1.0 + BN_EPS) ** 0.5

NC = 2
NS = 16
NW = NC * NS
CH = 128
K = (E + NW * CH - 1) // (NW * CH)
EP = NW * CH * K
KF = 104
KS = 53
CT = NS * (KF + KS)
ACC_R = 10240
RPT = ACC_R // NS

_sc_mesh = plsc.VectorSubcoreMesh(
    core_axis_name="c", subcore_axis_name="s", num_cores=NC, num_subcores=NS)


@functools.partial(
    pl.kernel,
    out_type=jax.ShapeDtypeStruct((NC, ACC_R, H), jnp.float32),
    mesh=_sc_mesh,
    scratch_types=[
        pltpu.VMEM_SHARED((ACC_R, H), jnp.float32),
        pltpu.VMEM((K, CH), jnp.int32),
        pltpu.VMEM((CH, H), jnp.float32),
    ],
)
def _deg_kernel(dst_hbm, zeros_hbm, ones_hbm, out_hbm, acc, dst_v, ones_v):
    c = lax.axis_index("c")
    s = lax.axis_index("s")
    wid = c * NS + s
    pltpu.sync_copy(zeros_hbm, acc.at[pl.ds(s * RPT, RPT)])
    pltpu.sync_copy(dst_hbm.at[wid], dst_v)
    pltpu.sync_copy(ones_hbm, ones_v)
    plsc.subcore_barrier()

    @pl.loop(0, K)
    def _chunk(i):
        pltpu.sync_copy(ones_v, acc.at[dst_v.at[i]], add=True)

    plsc.subcore_barrier()
    pltpu.sync_copy(acc.at[pl.ds(s * RPT, RPT)],
                    out_hbm.at[c, pl.ds(s * RPT, RPT)])


@functools.partial(
    pl.kernel,
    out_type=jax.ShapeDtypeStruct((NC, ACC_R, H), jnp.float32),
    mesh=_sc_mesh,
    scratch_types=[
        pltpu.VMEM_SHARED((ACC_R, H), jnp.float32),
        pltpu.VMEM((KF, CH), jnp.int32),
        pltpu.VMEM((KF, CH), jnp.int32),
        pltpu.VMEM((CH, H), jnp.float32),
        pltpu.SemaphoreType.DMA,
    ],
)
def _agg_kernel(x_hbm, src_hbm, dst_hbm, zeros_hbm, out_hbm,
                acc, src_v, dst_v, rows_v, sem):
    c = lax.axis_index("c")
    s = lax.axis_index("s")
    wid = c * NS + s
    pltpu.sync_copy(zeros_hbm, acc.at[pl.ds(s * RPT, RPT)])
    pltpu.sync_copy(src_hbm.at[wid], src_v)
    pltpu.sync_copy(dst_hbm.at[wid], dst_v)
    plsc.subcore_barrier()

    def _chunk(i):
        pltpu.async_copy(x_hbm.at[src_v.at[i]], rows_v, sem).wait()
        pltpu.sync_copy(rows_v, acc.at[dst_v.at[i]], add=True)

    @pl.when(c == 0)
    def _():
        pl.loop(0, KF)(_chunk)

    @pl.when(c == 1)
    def _():
        pl.loop(0, KS)(_chunk)

    plsc.subcore_barrier()
    pltpu.sync_copy(acc.at[pl.ds(s * RPT, RPT)],
                    out_hbm.at[c, pl.ds(s * RPT, RPT)])


_BLK = 2000


def _enc_body(h_ref, w_ref, b_ref, o_ref):
    o_ref[...] = jnp.dot(h_ref[...], w_ref[...],
                         preferred_element_type=jnp.float32) + b_ref[...]


def _encoder(h, W_enc, b_enc):
    return pl.pallas_call(
        _enc_body,
        grid=(N // _BLK,),
        in_specs=[
            pl.BlockSpec((_BLK, H), lambda i: (i, 0)),
            pl.BlockSpec((H, H), lambda i: (0, 0)),
            pl.BlockSpec((1, H), lambda i: (0, 0)),
        ],
        out_specs=pl.BlockSpec((_BLK, H), lambda i: (i, 0)),
        out_shape=jax.ShapeDtypeStruct((N, H), jnp.float32),
    )(h, W_enc, b_enc.reshape(1, H))


def _layer_body(x_ref, ns_ref, dg_ref, wt_ref, wb_ref, b_ref, g_ref, be_ref,
                o_ref):
    deg = jnp.maximum(dg_ref[0, :, 0:1] + dg_ref[1, :, 0:1], 1.0)
    hn = (ns_ref[0] + ns_ref[1]) / deg
    z = (jnp.dot(x_ref[...], wt_ref[...], preferred_element_type=jnp.float32)
         + jnp.dot(hn, wb_ref[...], preferred_element_type=jnp.float32)
         + b_ref[...])
    o_ref[...] = jnp.maximum(z, 0.0) * (g_ref[...] * INV_STD) + be_ref[...]


def _layer(x, nsum, degp, Wt, Wb, b, g, be):
    return pl.pallas_call(
        _layer_body,
        grid=(N // _BLK,),
        in_specs=[
            pl.BlockSpec((_BLK, H), lambda i: (i, 0)),
            pl.BlockSpec((NC, _BLK, H), lambda i: (0, i, 0)),
            pl.BlockSpec((NC, _BLK, 16), lambda i: (0, i, 0)),
            pl.BlockSpec((H, H), lambda i: (0, 0)),
            pl.BlockSpec((H, H), lambda i: (0, 0)),
            pl.BlockSpec((1, H), lambda i: (0, 0)),
            pl.BlockSpec((1, H), lambda i: (0, 0)),
            pl.BlockSpec((1, H), lambda i: (0, 0)),
        ],
        out_specs=pl.BlockSpec((_BLK, H), lambda i: (i, 0)),
        out_shape=jax.ShapeDtypeStruct((N, H), jnp.float32),
    )(x, nsum, degp, Wt, Wb, b.reshape(1, H), g.reshape(1, H),
      be.reshape(1, H))


def _readout_body(x_ref, w1_ref, b1_ref, w2_ref, b2_ref, w3_ref, b3_ref,
                  o_ref, acc_ref):
    i = pl.program_id(0)

    @pl.when(i == 0)
    def _():
        acc_ref[...] = jnp.zeros_like(acc_ref)

    acc_ref[...] += jnp.sum(x_ref[...], axis=0, keepdims=True)

    @pl.when(i == pl.num_programs(0) - 1)
    def _():
        hg = acc_ref[...] * (1.0 / N)
        o1 = jnp.maximum(jnp.dot(hg, w1_ref[...],
                                 preferred_element_type=jnp.float32)
                         + b1_ref[...], 0.0)
        o2 = jnp.maximum(jnp.dot(o1, w2_ref[...],
                                 preferred_element_type=jnp.float32)
                         + b2_ref[...], 0.0)
        o_ref[...] = jnp.dot(o2, w3_ref[...],
                             preferred_element_type=jnp.float32) + b3_ref[...]


def _readout(x, W1, b1, W2, b2, W3, b3):
    nc = W3.shape[1]
    return pl.pallas_call(
        _readout_body,
        grid=(N // _BLK,),
        in_specs=[
            pl.BlockSpec((_BLK, H), lambda i: (i, 0)),
            pl.BlockSpec(W1.shape, lambda i: (0, 0)),
            pl.BlockSpec((1, W1.shape[1]), lambda i: (0, 0)),
            pl.BlockSpec(W2.shape, lambda i: (0, 0)),
            pl.BlockSpec((1, W2.shape[1]), lambda i: (0, 0)),
            pl.BlockSpec(W3.shape, lambda i: (0, 0)),
            pl.BlockSpec((1, nc), lambda i: (0, 0)),
        ],
        out_specs=pl.BlockSpec((1, nc), lambda i: (0, 0)),
        out_shape=jax.ShapeDtypeStruct((1, nc), jnp.float32),
        scratch_shapes=[pltpu.VMEM((1, H), jnp.float32)],
    )(x, W1, b1.reshape(1, -1), W2, b2.reshape(1, -1), W3, b3.reshape(1, -1))


def kernel(h, edge_index, e, W_enc, b_enc, Wl, bl, gamma, beta,
           W1, b1, W2, b2, W3, b3):
    src = edge_index[0]
    dst = edge_index[1]
    pad_u = EP - E
    dst3 = jnp.concatenate(
        [dst, N + (jnp.arange(pad_u, dtype=jnp.int32) % (ACC_R - N))]
    ).reshape(NW, K, CH)

    pad_a = CT * CH - E
    src_f = jnp.concatenate([src, jnp.zeros((pad_a,), jnp.int32)])
    dst_f = jnp.concatenate(
        [dst, N + (jnp.arange(pad_a, dtype=jnp.int32) % (ACC_R - N))])

    def _asym(flat):
        chunks = flat.reshape(CT, CH)
        fast = chunks[:NS * KF].reshape(NS, KF, CH)
        slow = chunks[NS * KF:].reshape(NS, KS, CH)
        slow = jnp.pad(slow, ((0, 0), (0, KF - KS), (0, 0)))
        return jnp.concatenate([fast, slow], axis=0)

    srcA = _asym(src_f)
    dstA = _asym(dst_f)

    zeros_h = jnp.zeros((RPT, H), jnp.float32)
    ones_h = jnp.ones((CH, H), jnp.float32)

    degp = _deg_kernel(dst3, zeros_h, ones_h)[:, :, :16]
    x = _encoder(h, W_enc, b_enc)
    for l in range(L):
        nsum = _agg_kernel(x, srcA, dstA, zeros_h)
        x = _layer(x, nsum, degp, Wl[l, :H], Wl[l, H:], bl[l],
                   gamma[l], beta[l])
    return _readout(x, W1, b1, W2, b2, W3, b3)

# --- scband reference (transcript-rebuilt; emitter-appended) ---
"""Pipeline reference for scband-activation-graph-sage-net-77567109366536 (READ-ONLY COPY).

The authoritative reference and input builder live on the scoring server;
editing this copy changes nothing except your own understanding.
"""

import jax, jax.numpy as jnp
import numpy as np

N = 10000
E = 320000
D_IN = 128
H = 128
L = 3
N_CLASSES = 10
BN_EPS = 1e-5


def setup_inputs(seed: int = 0) -> dict:
    key = jax.random.key(seed)
    ks = jax.random.split(key, 16)
    h = jax.random.normal(ks[0], (N, D_IN), dtype=jnp.float32)
    edge_index = jax.random.randint(ks[1], (2, E), 0, N, dtype=jnp.int32)
    e = jax.random.normal(ks[2], (E, 4), dtype=jnp.float32)
    # node encoder (in_dim -> hidden)
    W_enc = jax.random.normal(ks[3], (D_IN, H), dtype=jnp.float32) * 0.05
    b_enc = jnp.zeros((H,), dtype=jnp.float32)
    # L GraphSage layers: nodeapply linear on concat(self, neigh) -> hidden
    Wl = jax.random.normal(ks[4], (L, 2 * H, H), dtype=jnp.float32) * 0.05
    bl = jnp.zeros((L, H), dtype=jnp.float32)
    # batchnorm (eval mode: running_mean=0, running_var=1)
    gamma = jnp.ones((L, H), dtype=jnp.float32)
    beta = jnp.zeros((L, H), dtype=jnp.float32)
    # readout MLP: H -> H//2 -> H//4 -> n_classes
    W1 = jax.random.normal(ks[5], (H, H // 2), dtype=jnp.float32) * 0.05
    b1 = jnp.zeros((H // 2,), dtype=jnp.float32)
    W2 = jax.random.normal(ks[6], (H // 2, H // 4), dtype=jnp.float32) * 0.05
    b2 = jnp.zeros((H // 4,), dtype=jnp.float32)
    W3 = jax.random.normal(ks[7], (H // 4, N_CLASSES), dtype=jnp.float32) * 0.05
    b3 = jnp.zeros((N_CLASSES,), dtype=jnp.float32)
    return {"h": h, "edge_index": edge_index, "e": e, "W_enc": W_enc, "b_enc": b_enc,
            "Wl": Wl, "bl": bl, "gamma": gamma, "beta": beta,
            "W1": W1, "b1": b1, "W2": W2, "b2": b2, "W3": W3, "b3": b3}


def reference(h, edge_index, e, W_enc, b_enc, Wl, bl, gamma, beta, W1, b1, W2, b2, W3, b3):
    src = edge_index[0]
    dst = edge_index[1]
    # node encoder (dropout p=0 -> identity)
    x = h @ W_enc + b_enc
    ones = jnp.ones((E,), dtype=x.dtype)
    deg = jax.ops.segment_sum(ones, dst, num_segments=N)
    deg = jnp.clip(deg, 1.0)[:, None]
    inv_std = 1.0 / jnp.sqrt(1.0 + BN_EPS)
    for l in range(L):
        # mean neighbor aggregation: gather src features, scatter-add to dst
        msg = jnp.take(x, src, axis=0)
        h_neigh = jax.ops.segment_sum(msg, dst, num_segments=N) / deg
        bundle = jnp.concatenate([x, h_neigh], axis=1)
        x = jax.nn.relu(bundle @ Wl[l] + bl[l])
        # BatchNorm1d in eval mode with running_mean=0, running_var=1
        x = gamma[l] * (x * inv_std) + beta[l]
    # graph_pool = mean over all nodes (single graph in batch)
    hg = jnp.mean(x, axis=0, keepdims=True)
    out = jax.nn.relu(hg @ W1 + b1)
    out = jax.nn.relu(out @ W2 + b2)
    out = out @ W3 + b3
    return out

if __name__ == "__main__":
    import jax
    _d = setup_inputs()
    print(jax.jit(kernel)(*tuple(_d.values())))

</pallas_src>

<mosaic_0001>
#map = affine_map<(d0, d1) -> (0, 0)>
#map1 = affine_map<(d0, d1) -> (0, 0, 0)>
module attributes {stable_mosaic.version = 14 : i64} {
  func.func @_agg_kernel(%arg0: i32, %arg1: i32, %arg2: memref<10000x128xf32, #tpu.memory_space<hbm>>, %arg3: memref<32x104x128xi32, #tpu.memory_space<hbm>>, %arg4: memref<32x104x128xi32, #tpu.memory_space<hbm>>, %arg5: memref<640x128xf32, #tpu.memory_space<hbm>>, %arg6: memref<2x10240x128xf32, #tpu.memory_space<hbm>>, %arg7: memref<10240x128xf32, #tpu.memory_space<vmem_shared>>, %arg8: memref<104x128xi32, #tpu.memory_space<vmem>>, %arg9: memref<104x128xi32, #tpu.memory_space<vmem>>, %arg10: memref<128x128xf32, #tpu.memory_space<vmem>>, %arg11: memref<!tpu.dma_semaphore, #tpu.memory_space<semaphore_mem>>) attributes {dimension_semantics = [#tpu.dimension_semantics<core_parallel>, #tpu.dimension_semantics<subcore_parallel>], iteration_bounds = array<i64: 2, 16>, scalar_prefetch = 0 : i64, scratch_operands = 5 : i64, tpu.core_type = #tpu.core_type<sc_vector_subcore>, window_params = [{transform_indices = #map}, {transform_indices = #map1}, {transform_indices = #map1}, {transform_indices = #map}, {transform_indices = #map1}]} {
    %mul3A = arith.constant 16 : i32
    %mul3A_0 = arith.muli %arg0, %mul3A : i32
    %add3A = arith.addi %mul3A_0, %arg1 : i32
    %mul3A_1 = arith.constant 640 : i32
    %mul3A_2 = arith.muli %arg1, %mul3A_1 : i32
    "tpu.region"() ({
      %run_scoped3A = tpu.sem_alloc : memref<!tpu.dma_semaphore, #tpu.memory_space<semaphore_mem>>
      %dma_start3A = arith.constant 0 : i32
      %dma_start3A_15 = tpu.memref_slice %arg7[%mul3A_2, %dma_start3A] : memref<10240x128xf32, #tpu.memory_space<vmem_shared>> -> memref<640x128xf32, #tpu.memory_space<vmem_shared>>
      tpu.enqueue_dma source(%arg5 : memref<640x128xf32, #tpu.memory_space<hbm>>) target(%dma_start3A_15 : memref<640x128xf32, #tpu.memory_space<vmem_shared>>) target_semaphore(%run_scoped3A : memref<!tpu.dma_semaphore, #tpu.memory_space<semaphore_mem>>)
      %dma_wait3A = arith.constant 0 : i32
      %dma_wait3A_16 = tpu.memref_slice %arg7[%mul3A_2, %dma_wait3A] : memref<10240x128xf32, #tpu.memory_space<vmem_shared>> -> memref<640x128xf32, #tpu.memory_space<vmem_shared>>
      tpu.wait_dma2 semaphore(%run_scoped3A : memref<!tpu.dma_semaphore, #tpu.memory_space<semaphore_mem>>) src(%arg5 : memref<640x128xf32, #tpu.memory_space<hbm>>) dst(%dma_wait3A_16 : memref<640x128xf32, #tpu.memory_space<vmem_shared>>)
      tpu.yield
    }) : () -> ()
    "tpu.region"() ({
      %run_scoped3A = tpu.sem_alloc : memref<!tpu.dma_semaphore, #tpu.memory_space<semaphore_mem>>
      %dma_start3A = arith.constant 0 : i32
      %dma_start3A_15 = arith.constant 0 : i32
      %dma_start3A_16 = tpu.memref_slice %arg3[%add3A, %dma_start3A, %dma_start3A_15] : memref<32x104x128xi32, #tpu.memory_space<hbm>> -> memref<1x104x128xi32, #tpu.memory_space<hbm>>
      %dma_start3A_17 = tpu.memref_squeeze %dma_start3A_16 : memref<1x104x128xi32, #tpu.memory_space<hbm>> -> memref<104x128xi32, #tpu.memory_space<hbm>>
      %dma_start3A_18 = arith.constant 0 : i32
      %dma_start3A_19 = arith.constant 0 : i32
      %dma_start3A_20 = tpu.memref_slice %arg3[%add3A, %dma_start3A_18, %dma_start3A_19] : memref<32x104x128xi32, #tpu.memory_space<hbm>> -> memref<1x104x128xi32, #tpu.memory_space<hbm>>
      %dma_start3A_21 = tpu.memref_squeeze %dma_start3A_20 : memref<1x104x128xi32, #tpu.memory_space<hbm>> -> memref<104x128xi32, #tpu.memory_space<hbm>>
      tpu.enqueue_dma source(%dma_start3A_21 : memref<104x128xi32, #tpu.memory_space<hbm>>) target(%arg8 : memref<104x128xi32, #tpu.memory_space<vmem>>) target_semaphore(%run_scoped3A : memref<!tpu.dma_semaphore, #tpu.memory_space<semaphore_mem>>)
      %dma_wait3A = arith.constant 0 : i32
      %dma_wait3A_22 = arith.constant 0 : i32
      %dma_wait3A_23 = tpu.memref_slice %arg3[%add3A, %dma_wait3A, %dma_wait3A_22] : memref<32x104x128xi32, #tpu.memory_space<hbm>> -> memref<1x104x128xi32, #tpu.memory_space<hbm>>
      %dma_wait3A_24 = tpu.memref_squeeze %dma_wait3A_23 : memref<1x104x128xi32, #tpu.memory_space<hbm>> -> memref<104x128xi32, #tpu.memory_space<hbm>>
      %dma_wait3A_25 = arith.constant 0 : i32
      %dma_wait3A_26 = arith.constant 0 : i32
      %dma_wait3A_27 = tpu.memref_slice %arg3[%add3A, %dma_wait3A_25, %dma_wait3A_26] : memref<32x104x128xi32, #tpu.memory_space<hbm>> -> memref<1x104x128xi32, #tpu.memory_space<hbm>>
      %dma_wait3A_28 = tpu.memref_squeeze %dma_wait3A_27 : memref<1x104x128xi32, #tpu.memory_space<hbm>> -> memref<104x128xi32, #tpu.memory_space<hbm>>
      tpu.wait_dma2 semaphore(%run_scoped3A : memref<!tpu.dma_semaphore, #tpu.memory_space<semaphore_mem>>) src(%dma_wait3A_28 : memref<104x128xi32, #tpu.memory_space<hbm>>) dst(%arg8 : memref<104x128xi32, #tpu.memory_space<vmem>>)
      tpu.yield
    }) : () -> ()
    "tpu.region"() ({
      %run_scoped3A = tpu.sem_alloc : memref<!tpu.dma_semaphore, #tpu.memory_space<semaphore_mem>>
      %dma_start3A = arith.constant 0 : i32
      %dma_start3A_15 = arith.constant 0 : i32
      %dma_start3A_16 = tpu.memref_slice %arg4[%add3A, %dma_start3A, %dma_start3A_15] : memref<32x104x128xi32, #tpu.memory_space<hbm>> -> memref<1x104x128xi32, #tpu.memory_space<hbm>>
      %dma_start3A_17 = tpu.memref_squeeze %dma_start3A_16 : memref<1x104x128xi32, #tpu.memory_space<hbm>> -> memref<104x128xi32, #tpu.memory_space<hbm>>
      %dma_start3A_18 = arith.constant 0 : i32
      %dma_start3A_19 = arith.constant 0 : i32
      %dma_start3A_20 = tpu.memref_slice %arg4[%add3A, %dma_start3A_18, %dma_start3A_19] : memref<32x104x128xi32, #tpu.memory_space<hbm>> -> memref<1x104x128xi32, #tpu.memory_space<hbm>>
      %dma_start3A_21 = tpu.memref_squeeze %dma_start3A_20 : memref<1x104x128xi32, #tpu.memory_space<hbm>> -> memref<104x128xi32, #tpu.memory_space<hbm>>
      tpu.enqueue_dma source(%dma_start3A_21 : memref<104x128xi32, #tpu.memory_space<hbm>>) target(%arg9 : memref<104x128xi32, #tpu.memory_space<vmem>>) target_semaphore(%run_scoped3A : memref<!tpu.dma_semaphore, #tpu.memory_space<semaphore_mem>>)
      %dma_wait3A = arith.constant 0 : i32
      %dma_wait3A_22 = arith.constant 0 : i32
      %dma_wait3A_23 = tpu.memref_slice %arg4[%add3A, %dma_wait3A, %dma_wait3A_22] : memref<32x104x128xi32, #tpu.memory_space<hbm>> -> memref<1x104x128xi32, #tpu.memory_space<hbm>>
      %dma_wait3A_24 = tpu.memref_squeeze %dma_wait3A_23 : memref<1x104x128xi32, #tpu.memory_space<hbm>> -> memref<104x128xi32, #tpu.memory_space<hbm>>
      %dma_wait3A_25 = arith.constant 0 : i32
      %dma_wait3A_26 = arith.constant 0 : i32
      %dma_wait3A_27 = tpu.memref_slice %arg4[%add3A, %dma_wait3A_25, %dma_wait3A_26] : memref<32x104x128xi32, #tpu.memory_space<hbm>> -> memref<1x104x128xi32, #tpu.memory_space<hbm>>
      %dma_wait3A_28 = tpu.memref_squeeze %dma_wait3A_27 : memref<1x104x128xi32, #tpu.memory_space<hbm>> -> memref<104x128xi32, #tpu.memory_space<hbm>>
      tpu.wait_dma2 semaphore(%run_scoped3A : memref<!tpu.dma_semaphore, #tpu.memory_space<semaphore_mem>>) src(%dma_wait3A_28 : memref<104x128xi32, #tpu.memory_space<hbm>>) dst(%arg9 : memref<104x128xi32, #tpu.memory_space<vmem>>)
      tpu.yield
    }) : () -> ()
    %barrier3A = arith.constant 0 : index
    tpu.barrier barrier_id(%barrier3A)
    %eq3A = arith.constant 0 : i32
    %eq3A_3 = arith.cmpi eq, %arg0, %eq3A : i32
    %convert_element_type3A = arith.extui %eq3A_3 : i1 to i32
    %cond3A = arith.constant 0 : i32
    %cond3A_4 = arith.cmpi ne, %convert_element_type3A, %cond3A : i32
    scf.if %cond3A_4 {
      %scan3A = arith.constant 0 : i32
      %scan3A_15 = arith.constant 104 : i32
      %scan3A_16 = arith.addi %scan3A, %scan3A_15 : i32
      %scan3A_17 = arith.constant 1 : i32
      scf.for %scan3A_19 = %scan3A to %scan3A_16 step %scan3A_17  : i32 {
        %mul3A_20 = arith.constant 1 : i32
        %mul3A_21 = arith.muli %scan3A_19, %mul3A_20 : i32
        %add3A_22 = arith.constant 0 : i32
        %add3A_23 = arith.addi %add3A_22, %mul3A_21 : i32
        %dma_start3A = arith.constant 0 : i32
        %dma_start3A_24 = tpu.memref_slice %arg8[%add3A_23, %dma_start3A] : memref<104x128xi32, #tpu.memory_space<vmem>> -> memref<1x128xi32, #tpu.memory_space<vmem>>
        %dma_start3A_25 = tpu.memref_squeeze %dma_start3A_24 : memref<1x128xi32, #tpu.memory_space<vmem>> -> memref<128xi32, #tpu.memory_space<vmem>>
        %dma_start3A_26 = arith.constant 0 : i32
        %dma_start3A_27 = arith.constant 0 : i32
        %dma_start3A_28 = tpu.memref_slice %arg2[%dma_start3A_26, %dma_start3A_27] : memref<10000x128xf32, #tpu.memory_space<hbm>> -> memref<10000x128xf32, #tpu.memory_space<hbm>>
        tpu.enqueue_indirect_dma source(%dma_start3A_28 : memref<10000x128xf32, #tpu.memory_space<hbm>>) target(%arg10 : memref<128x128xf32, #tpu.memory_space<vmem>>) offsets(%dma_start3A_25 : memref<128xi32, #tpu.memory_space<vmem>>) semaphore(%arg11 : memref<!tpu.dma_semaphore, #tpu.memory_space<semaphore_mem>>)
        %dma_wait3A = arith.constant 0 : i32
        %dma_wait3A_29 = tpu.memref_slice %arg8[%add3A_23, %dma_wait3A] : memref<104x128xi32, #tpu.memory_space<vmem>> -> memref<1x128xi32, #tpu.memory_space<vmem>>
        %dma_wait3A_30 = tpu.memref_squeeze %dma_wait3A_29 : memref<1x128xi32, #tpu.memory_space<vmem>> -> memref<128xi32, #tpu.memory_space<vmem>>
        %dma_wait3A_31 = arith.constant 0 : i32
        %dma_wait3A_32 = arith.constant 0 : i32
        %dma_wait3A_33 = tpu.memref_slice %arg2[%dma_wait3A_31, %dma_wait3A_32] : memref<10000x128xf32, #tpu.memory_space<hbm>> -> memref<10000x128xf32, #tpu.memory_space<hbm>>
        tpu.wait_indirect_dma semaphore(%arg11 : memref<!tpu.dma_semaphore, #tpu.memory_space<semaphore_mem>>) src(%dma_wait3A_33 : memref<10000x128xf32, #tpu.memory_space<hbm>>) dst(%arg10 : memref<128x128xf32, #tpu.memory_space<vmem>>)
        "tpu.region"() ({
          %run_scoped3A = tpu.sem_alloc : memref<!tpu.dma_semaphore, #tpu.memory_space<semaphore_mem>>
          %dma_start3A_34 = arith.constant 0 : i32
          %dma_start3A_35 = tpu.memref_slice %arg9[%add3A_23, %dma_start3A_34] : memref<104x128xi32, #tpu.memory_space<vmem>> -> memref<1x128xi32, #tpu.memory_space<vmem>>
          %dma_start3A_36 = tpu.memref_squeeze %dma_start3A_35 : memref<1x128xi32, #tpu.memory_space<vmem>> -> memref<128xi32, #tpu.memory_space<vmem>>
          %dma_start3A_37 = arith.constant 0 : i32
          %dma_start3A_38 = arith.constant 0 : i32
          %dma_start3A_39 = tpu.memref_slice %arg7[%dma_start3A_37, %dma_start3A_38] : memref<10240x128xf32, #tpu.memory_space<vmem_shared>> -> memref<10240x128xf32, #tpu.memory_space<vmem_shared>>
          tpu.enqueue_indirect_dma source(%arg10 : memref<128x128xf32, #tpu.memory_space<vmem>>) target(%dma_start3A_39 : memref<10240x128xf32, #tpu.memory_space<vmem_shared>>) offsets(%dma_start3A_36 : memref<128xi32, #tpu.memory_space<vmem>>) semaphore(%run_scoped3A : memref<!tpu.dma_semaphore, #tpu.memory_space<semaphore_mem>>) {add = true}
          %dma_wait3A_40 = arith.constant 0 : i32
          %dma_wait3A_41 = tpu.memref_slice %arg9[%add3A_23, %dma_wait3A_40] : memref<104x128xi32, #tpu.memory_space<vmem>> -> memref<1x128xi32, #tpu.memory_space<vmem>>
          %dma_wait3A_42 = tpu.memref_squeeze %dma_wait3A_41 : memref<1x128xi32, #tpu.memory_space<vmem>> -> memref<128xi32, #tpu.memory_space<vmem>>
          %dma_wait3A_43 = arith.constant 0 : i32
          %dma_wait3A_44 = arith.constant 0 : i32
          %dma_wait3A_45 = tpu.memref_slice %arg7[%dma_wait3A_43, %dma_wait3A_44] : memref<10240x128xf32, #tpu.memory_space<vmem_shared>> -> memref<10240x128xf32, #tpu.memory_space<vmem_shared>>
          tpu.wait_indirect_dma semaphore(%run_scoped3A : memref<!tpu.dma_semaphore, #tpu.memory_space<semaphore_mem>>) src(%arg10 : memref<128x128xf32, #tpu.memory_space<vmem>>) dst(%dma_wait3A_45 : memref<10240x128xf32, #tpu.memory_space<vmem_shared>>)
          tpu.yield
        }) : () -> ()
      }
      %scan3A_18 = arith.constant 104 : i32
    } else {
    }
    %eq3A_5 = arith.constant 1 : i32
    %eq3A_6 = arith.cmpi eq, %arg0, %eq3A_5 : i32
    %convert_element_type3A_7 = arith.extui %eq3A_6 : i1 to i32
    %cond3A_8 = arith.constant 0 : i32
    %cond3A_9 = arith.cmpi ne, %convert_element_type3A_7, %cond3A_8 : i32
    scf.if %cond3A_9 {
      %scan3A = arith.constant 0 : i32
      %scan3A_15 = arith.constant 53 : i32
      %scan3A_16 = arith.addi %scan3A, %scan3A_15 : i32
      %scan3A_17 = arith.constant 1 : i32
      scf.for %scan3A_19 = %scan3A to %scan3A_16 step %scan3A_17  : i32 {
        %mul3A_20 = arith.constant 1 : i32
        %mul3A_21 = arith.muli %scan3A_19, %mul3A_20 : i32
        %add3A_22 = arith.constant 0 : i32
        %add3A_23 = arith.addi %add3A_22, %mul3A_21 : i32
        %dma_start3A = arith.constant 0 : i32
        %dma_start3A_24 = tpu.memref_slice %arg8[%add3A_23, %dma_start3A] : memref<104x128xi32, #tpu.memory_space<vmem>> -> memref<1x128xi32, #tpu.memory_space<vmem>>
        %dma_start3A_25 = tpu.memref_squeeze %dma_start3A_24 : memref<1x128xi32, #tpu.memory_space<vmem>> -> memref<128xi32, #tpu.memory_space<vmem>>
        %dma_start3A_26 = arith.constant 0 : i32
        %dma_start3A_27 = arith.constant 0 : i32
        %dma_start3A_28 = tpu.memref_slice %arg2[%dma_start3A_26, %dma_start3A_27] : memref<10000x128xf32, #tpu.memory_space<hbm>> -> memref<10000x128xf32, #tpu.memory_space<hbm>>
        tpu.enqueue_indirect_dma source(%dma_start3A_28 : memref<10000x128xf32, #tpu.memory_space<hbm>>) target(%arg10 : memref<128x128xf32, #tpu.memory_space<vmem>>) offsets(%dma_start3A_25 : memref<128xi32, #tpu.memory_space<vmem>>) semaphore(%arg11 : memref<!tpu.dma_semaphore, #tpu.memory_space<semaphore_mem>>)
        %dma_wait3A = arith.constant 0 : i32
        %dma_wait3A_29 = tpu.memref_slice %arg8[%add3A_23, %dma_wait3A] : memref<104x128xi32, #tpu.memory_space<vmem>> -> memref<1x128xi32, #tpu.memory_space<vmem>>
        %dma_wait3A_30 = tpu.memref_squeeze %dma_wait3A_29 : memref<1x128xi32, #tpu.memory_space<vmem>> -> memref<128xi32, #tpu.memory_space<vmem>>
        %dma_wait3A_31 = arith.constant 0 : i32
        %dma_wait3A_32 = arith.constant 0 : i32
        %dma_wait3A_33 = tpu.memref_slice %arg2[%dma_wait3A_31, %dma_wait3A_32] : memref<10000x128xf32, #tpu.memory_space<hbm>> -> memref<10000x128xf32, #tpu.memory_space<hbm>>
        tpu.wait_indirect_dma semaphore(%arg11 : memref<!tpu.dma_semaphore, #tpu.memory_space<semaphore_mem>>) src(%dma_wait3A_33 : memref<10000x128xf32, #tpu.memory_space<hbm>>) dst(%arg10 : memref<128x128xf32, #tpu.memory_space<vmem>>)
        "tpu.region"() ({
          %run_scoped3A = tpu.sem_alloc : memref<!tpu.dma_semaphore, #tpu.memory_space<semaphore_mem>>
          %dma_start3A_34 = arith.constant 0 : i32
          %dma_start3A_35 = tpu.memref_slice %arg9[%add3A_23, %dma_start3A_34] : memref<104x128xi32, #tpu.memory_space<vmem>> -> memref<1x128xi32, #tpu.memory_space<vmem>>
          %dma_start3A_36 = tpu.memref_squeeze %dma_start3A_35 : memref<1x128xi32, #tpu.memory_space<vmem>> -> memref<128xi32, #tpu.memory_space<vmem>>
          %dma_start3A_37 = arith.constant 0 : i32
          %dma_start3A_38 = arith.constant 0 : i32
          %dma_start3A_39 = tpu.memref_slice %arg7[%dma_start3A_37, %dma_start3A_38] : memref<10240x128xf32, #tpu.memory_space<vmem_shared>> -> memref<10240x128xf32, #tpu.memory_space<vmem_shared>>
          tpu.enqueue_indirect_dma source(%arg10 : memref<128x128xf32, #tpu.memory_space<vmem>>) target(%dma_start3A_39 : memref<10240x128xf32, #tpu.memory_space<vmem_shared>>) offsets(%dma_start3A_36 : memref<128xi32, #tpu.memory_space<vmem>>) semaphore(%run_scoped3A : memref<!tpu.dma_semaphore, #tpu.memory_space<semaphore_mem>>) {add = true}
          %dma_wait3A_40 = arith.constant 0 : i32
          %dma_wait3A_41 = tpu.memref_slice %arg9[%add3A_23, %dma_wait3A_40] : memref<104x128xi32, #tpu.memory_space<vmem>> -> memref<1x128xi32, #tpu.memory_space<vmem>>
          %dma_wait3A_42 = tpu.memref_squeeze %dma_wait3A_41 : memref<1x128xi32, #tpu.memory_space<vmem>> -> memref<128xi32, #tpu.memory_space<vmem>>
          %dma_wait3A_43 = arith.constant 0 : i32
          %dma_wait3A_44 = arith.constant 0 : i32
          %dma_wait3A_45 = tpu.memref_slice %arg7[%dma_wait3A_43, %dma_wait3A_44] : memref<10240x128xf32, #tpu.memory_space<vmem_shared>> -> memref<10240x128xf32, #tpu.memory_space<vmem_shared>>
          tpu.wait_indirect_dma semaphore(%run_scoped3A : memref<!tpu.dma_semaphore, #tpu.memory_space<semaphore_mem>>) src(%arg10 : memref<128x128xf32, #tpu.memory_space<vmem>>) dst(%dma_wait3A_45 : memref<10240x128xf32, #tpu.memory_space<vmem_shared>>)
          tpu.yield
        }) : () -> ()
      }
      %scan3A_18 = arith.constant 53 : i32
    } else {
    }
    %barrier3A_10 = arith.constant 0 : index
    tpu.barrier barrier_id(%barrier3A_10)
    %mul3A_11 = arith.constant 640 : i32
    %mul3A_12 = arith.muli %arg1, %mul3A_11 : i32
    %mul3A_13 = arith.constant 640 : i32
    %mul3A_14 = arith.muli %arg1, %mul3A_13 : i32
    "tpu.region"() ({
      %run_scoped3A = tpu.sem_alloc : memref<!tpu.dma_semaphore, #tpu.memory_space<semaphore_mem>>
      %dma_start3A = arith.constant 0 : i32
      %dma_start3A_15 = tpu.memref_slice %arg6[%arg0, %mul3A_14, %dma_start3A] : memref<2x10240x128xf32, #tpu.memory_space<hbm>> -> memref<1x640x128xf32, #tpu.memory_space<hbm>>
      %dma_start3A_16 = tpu.memref_squeeze %dma_start3A_15 : memref<1x640x128xf32, #tpu.memory_space<hbm>> -> memref<640x128xf32, #tpu.memory_space<hbm>>
      %dma_start3A_17 = arith.constant 0 : i32
      %dma_start3A_18 = tpu.memref_slice %arg7[%mul3A_12, %dma_start3A_17] : memref<10240x128xf32, #tpu.memory_space<vmem_shared>> -> memref<640x128xf32, #tpu.memory_space<vmem_shared>>
      tpu.enqueue_dma source(%dma_start3A_18 : memref<640x128xf32, #tpu.memory_space<vmem_shared>>) target(%dma_start3A_16 : memref<640x128xf32, #tpu.memory_space<hbm>>) target_semaphore(%run_scoped3A : memref<!tpu.dma_semaphore, #tpu.memory_space<semaphore_mem>>)
      %dma_wait3A = arith.constant 0 : i32
      %dma_wait3A_19 = tpu.memref_slice %arg6[%arg0, %mul3A_14, %dma_wait3A] : memref<2x10240x128xf32, #tpu.memory_space<hbm>> -> memref<1x640x128xf32, #tpu.memory_space<hbm>>
      %dma_wait3A_20 = tpu.memref_squeeze %dma_wait3A_19 : memref<1x640x128xf32, #tpu.memory_space<hbm>> -> memref<640x128xf32, #tpu.memory_space<hbm>>
      %dma_wait3A_21 = arith.constant 0 : i32
      %dma_wait3A_22 = tpu.memref_slice %arg7[%mul3A_12, %dma_wait3A_21] : memref<10240x128xf32, #tpu.memory_space<vmem_shared>> -> memref<640x128xf32, #tpu.memory_space<vmem_shared>>
      tpu.wait_dma2 semaphore(%run_scoped3A : memref<!tpu.dma_semaphore, #tpu.memory_space<semaphore_mem>>) src(%dma_wait3A_22 : memref<640x128xf32, #tpu.memory_space<vmem_shared>>) dst(%dma_wait3A_20 : memref<640x128xf32, #tpu.memory_space<hbm>>)
      tpu.yield
    }) : () -> ()
    return
  }
}

#map = affine_map<(d0, d1) -> (0, 0)>
#map1 = affine_map<(d0, d1) -> (0, 0, 0)>
module attributes {stable_mosaic.version = 14 : i64} {
  func.func @_agg_kernel(%arg0: i32, %arg1: i32, %arg2: memref<10000x128xf32, #tpu.memory_space<hbm>>, %arg3: memref<32x104x128xi32, #tpu.memory_space<hbm>>, %arg4: memref<32x104x128xi32, #tpu.memory_space<hbm>>, %arg5: memref<640x128xf32, #tpu.memory_space<hbm>>, %arg6: memref<2x10240x128xf32, #tpu.memory_space<hbm>>, %arg7: memref<10240x128xf32, #tpu.memory_space<vmem_shared>>, %arg8: memref<104x128xi32, #tpu.memory_space<vmem>>, %arg9: memref<104x128xi32, #tpu.memory_space<vmem>>, %arg10: memref<128x128xf32, #tpu.memory_space<vmem>>, %arg11: memref<!tpu.dma_semaphore, #tpu.memory_space<semaphore_mem>>) attributes {dimension_semantics = [#tpu.dimension_semantics<core_parallel>, #tpu.dimension_semantics<subcore_parallel>], iteration_bounds = array<i64: 2, 16>, scalar_prefetch = 0 : i64, scratch_operands = 5 : i64, tpu.core_type = #tpu.core_type<sc_vector_subcore>, window_params = [{transform_indices = #map}, {transform_indices = #map1}, {transform_indices = #map1}, {transform_indices = #map}, {transform_indices = #map1}]} {
    %mul3A = arith.constant 16 : i32
    %mul3A_0 = arith.muli %arg0, %mul3A : i32
    %add3A = arith.addi %mul3A_0, %arg1 : i32
    %mul3A_1 = arith.constant 640 : i32
    %mul3A_2 = arith.muli %arg1, %mul3A_1 : i32
    "tpu.region"() ({
      %run_scoped3A = tpu.sem_alloc : memref<!tpu.dma_semaphore, #tpu.memory_space<semaphore_mem>>
      %dma_start3A = arith.constant 0 : i32
      %dma_start3A_15 = tpu.memref_slice %arg7[%mul3A_2, %dma_start3A] : memref<10240x128xf32, #tpu.memory_space<vmem_shared>> -> memref<640x128xf32, #tpu.memory_space<vmem_shared>>
      tpu.enqueue_dma source(%arg5 : memref<640x128xf32, #tpu.memory_space<hbm>>) target(%dma_start3A_15 : memref<640x128xf32, #tpu.memory_space<vmem_shared>>) target_semaphore(%run_scoped3A : memref<!tpu.dma_semaphore, #tpu.memory_space<semaphore_mem>>)
      %dma_wait3A = arith.constant 0 : i32
      %dma_wait3A_16 = tpu.memref_slice %arg7[%mul3A_2, %dma_wait3A] : memref<10240x128xf32, #tpu.memory_space<vmem_shared>> -> memref<640x128xf32, #tpu.memory_space<vmem_shared>>
      tpu.wait_dma2 semaphore(%run_scoped3A : memref<!tpu.dma_semaphore, #tpu.memory_space<semaphore_mem>>) src(%arg5 : memref<640x128xf32, #tpu.memory_space<hbm>>) dst(%dma_wait3A_16 : memref<640x128xf32, #tpu.memory_space<vmem_shared>>)
      tpu.yield
    }) : () -> ()
    "tpu.region"() ({
      %run_scoped3A = tpu.sem_alloc : memref<!tpu.dma_semaphore, #tpu.memory_space<semaphore_mem>>
      %dma_start3A = arith.constant 0 : i32
      %dma_start3A_15 = arith.constant 0 : i32
      %dma_start3A_16 = tpu.memref_slice %arg3[%add3A, %dma_start3A, %dma_start3A_15] : memref<32x104x128xi32, #tpu.memory_space<hbm>> -> memref<1x104x128xi32, #tpu.memory_space<hbm>>
      %dma_start3A_17 = tpu.memref_squeeze %dma_start3A_16 : memref<1x104x128xi32, #tpu.memory_space<hbm>> -> memref<104x128xi32, #tpu.memory_space<hbm>>
      %dma_start3A_18 = arith.constant 0 : i32
      %dma_start3A_19 = arith.constant 0 : i32
      %dma_start3A_20 = tpu.memref_slice %arg3[%add3A, %dma_start3A_18, %dma_start3A_19] : memref<32x104x128xi32, #tpu.memory_space<hbm>> -> memref<1x104x128xi32, #tpu.memory_space<hbm>>
      %dma_start3A_21 = tpu.memref_squeeze %dma_start3A_20 : memref<1x104x128xi32, #tpu.memory_space<hbm>> -> memref<104x128xi32, #tpu.memory_space<hbm>>
      tpu.enqueue_dma source(%dma_start3A_21 : memref<104x128xi32, #tpu.memory_space<hbm>>) target(%arg8 : memref<104x128xi32, #tpu.memory_space<vmem>>) target_semaphore(%run_scoped3A : memref<!tpu.dma_semaphore, #tpu.memory_space<semaphore_mem>>)
      %dma_wait3A = arith.constant 0 : i32
      %dma_wait3A_22 = arith.constant 0 : i32
      %dma_wait3A_23 = tpu.memref_slice %arg3[%add3A, %dma_wait3A, %dma_wait3A_22] : memref<32x104x128xi32, #tpu.memory_space<hbm>> -> memref<1x104x128xi32, #tpu.memory_space<hbm>>
      %dma_wait3A_24 = tpu.memref_squeeze %dma_wait3A_23 : memref<1x104x128xi32, #tpu.memory_space<hbm>> -> memref<104x128xi32, #tpu.memory_space<hbm>>
      %dma_wait3A_25 = arith.constant 0 : i32
      %dma_wait3A_26 = arith.constant 0 : i32
      %dma_wait3A_27 = tpu.memref_slice %arg3[%add3A, %dma_wait3A_25, %dma_wait3A_26] : memref<32x104x128xi32, #tpu.memory_space<hbm>> -> memref<1x104x128xi32, #tpu.memory_space<hbm>>
      %dma_wait3A_28 = tpu.memref_squeeze %dma_wait3A_27 : memref<1x104x128xi32, #tpu.memory_space<hbm>> -> memref<104x128xi32, #tpu.memory_space<hbm>>
      tpu.wait_dma2 semaphore(%run_scoped3A : memref<!tpu.dma_semaphore, #tpu.memory_space<semaphore_mem>>) src(%dma_wait3A_28 : memref<104x128xi32, #tpu.memory_space<hbm>>) dst(%arg8 : memref<104x128xi32, #tpu.memory_space<vmem>>)
      tpu.yield
    }) : () -> ()
    "tpu.region"() ({
      %run_scoped3A = tpu.sem_alloc : memref<!tpu.dma_semaphore, #tpu.memory_space<semaphore_mem>>
      %dma_start3A = arith.constant 0 : i32
      %dma_start3A_15 = arith.constant 0 : i32
      %dma_start3A_16 = tpu.memref_slice %arg4[%add3A, %dma_start3A, %dma_start3A_15] : memref<32x104x128xi32, #tpu.memory_space<hbm>> -> memref<1x104x128xi32, #tpu.memory_space<hbm>>
      %dma_start3A_17 = tpu.memref_squeeze %dma_start3A_16 : memref<1x104x128xi32, #tpu.memory_space<hbm>> -> memref<104x128xi32, #tpu.memory_space<hbm>>
      %dma_start3A_18 = arith.constant 0 : i32
      %dma_start3A_19 = arith.constant 0 : i32
      %dma_start3A_20 = tpu.memref_slice %arg4[%add3A, %dma_start3A_18, %dma_start3A_19] : memref<32x104x128xi32, #tpu.memory_space<hbm>> -> memref<1x104x128xi32, #tpu.memory_space<hbm>>
      %dma_start3A_21 = tpu.memref_squeeze %dma_start3A_20 : memref<1x104x128xi32, #tpu.memory_space<hbm>> -> memref<104x128xi32, #tpu.memory_space<hbm>>
      tpu.enqueue_dma source(%dma_start3A_21 : memref<104x128xi32, #tpu.memory_space<hbm>>) target(%arg9 : memref<104x128xi32, #tpu.memory_space<vmem>>) target_semaphore(%run_scoped3A : memref<!tpu.dma_semaphore, #tpu.memory_space<semaphore_mem>>)
      %dma_wait3A = arith.constant 0 : i32
      %dma_wait3A_22 = arith.constant 0 : i32
      %dma_wait3A_23 = tpu.memref_slice %arg4[%add3A, %dma_wait3A, %dma_wait3A_22] : memref<32x104x128xi32, #tpu.memory_space<hbm>> -> memref<1x104x128xi32, #tpu.memory_space<hbm>>
      %dma_wait3A_24 = tpu.memref_squeeze %dma_wait3A_23 : memref<1x104x128xi32, #tpu.memory_space<hbm>> -> memref<104x128xi32, #tpu.memory_space<hbm>>
      %dma_wait3A_25 = arith.constant 0 : i32
      %dma_wait3A_26 = arith.constant 0 : i32
      %dma_wait3A_27 = tpu.memref_slice %arg4[%add3A, %dma_wait3A_25, %dma_wait3A_26] : memref<32x104x128xi32, #tpu.memory_space<hbm>> -> memref<1x104x128xi32, #tpu.memory_space<hbm>>
      %dma_wait3A_28 = tpu.memref_squeeze %dma_wait3A_27 : memref<1x104x128xi32, #tpu.memory_space<hbm>> -> memref<104x128xi32, #tpu.memory_space<hbm>>
      tpu.wait_dma2 semaphore(%run_scoped3A : memref<!tpu.dma_semaphore, #tpu.memory_space<semaphore_mem>>) src(%dma_wait3A_28 : memref<104x128xi32, #tpu.memory_space<hbm>>) dst(%arg9 : memref<104x128xi32, #tpu.memory_space<vmem>>)
      tpu.yield
    }) : () -> ()
    %barrier3A = arith.constant 0 : index
    tpu.barrier barrier_id(%barrier3A)
    %eq3A = arith.constant 0 : i32
    %eq3A_3 = arith.cmpi eq, %arg0, %eq3A : i32
    %convert_element_type3A = arith.extui %eq3A_3 : i1 to i32
    %cond3A = arith.constant 0 : i32
    %cond3A_4 = arith.cmpi ne, %convert_element_type3A, %cond3A : i32
    scf.if %cond3A_4 {
      %scan3A = arith.constant 0 : i32
      %scan3A_15 = arith.constant 104 : i32
      %scan3A_16 = arith.addi %scan3A, %scan3A_15 : i32
      %scan3A_17 = arith.constant 1 : i32
      scf.for %scan3A_19 = %scan3A to %scan3A_16 step %scan3A_17  : i32 {
        %mul3A_20 = arith.constant 1 : i32
        %mul3A_21 = arith.muli %scan3A_19, %mul3A_20 : i32
        %add3A_22 = arith.constant 0 : i32
        %add3A_23 = arith.addi %add3A_22, %mul3A_21 : i32
        %dma_start3A = arith.constant 0 : i32
        %dma_start3A_24 = tpu.memref_slice %arg8[%add3A_23, %dma_start3A] : memref<104x128xi32, #tpu.memory_space<vmem>> -> memref<1x128xi32, #tpu.memory_space<vmem>>
        %dma_start3A_25 = tpu.memref_squeeze %dma_start3A_24 : memref<1x128xi32, #tpu.memory_space<vmem>> -> memref<128xi32, #tpu.memory_space<vmem>>
        %dma_start3A_26 = arith.constant 0 : i32
        %dma_start3A_27 = arith.constant 0 : i32
        %dma_start3A_28 = tpu.memref_slice %arg2[%dma_start3A_26, %dma_start3A_27] : memref<10000x128xf32, #tpu.memory_space<hbm>> -> memref<10000x128xf32, #tpu.memory_space<hbm>>
        tpu.enqueue_indirect_dma source(%dma_start3A_28 : memref<10000x128xf32, #tpu.memory_space<hbm>>) target(%arg10 : memref<128x128xf32, #tpu.memory_space<vmem>>) offsets(%dma_start3A_25 : memref<128xi32, #tpu.memory_space<vmem>>) semaphore(%arg11 : memref<!tpu.dma_semaphore, #tpu.memory_space<semaphore_mem>>)
        %dma_wait3A = arith.constant 0 : i32
        %dma_wait3A_29 = tpu.memref_slice %arg8[%add3A_23, %dma_wait3A] : memref<104x128xi32, #tpu.memory_space<vmem>> -> memref<1x128xi32, #tpu.memory_space<vmem>>
        %dma_wait3A_30 = tpu.memref_squeeze %dma_wait3A_29 : memref<1x128xi32, #tpu.memory_space<vmem>> -> memref<128xi32, #tpu.memory_space<vmem>>
        %dma_wait3A_31 = arith.constant 0 : i32
        %dma_wait3A_32 = arith.constant 0 : i32
        %dma_wait3A_33 = tpu.memref_slice %arg2[%dma_wait3A_31, %dma_wait3A_32] : memref<10000x128xf32, #tpu.memory_space<hbm>> -> memref<10000x128xf32, #tpu.memory_space<hbm>>
        tpu.wait_indirect_dma semaphore(%arg11 : memref<!tpu.dma_semaphore, #tpu.memory_space<semaphore_mem>>) src(%dma_wait3A_33 : memref<10000x128xf32, #tpu.memory_space<hbm>>) dst(%arg10 : memref<128x128xf32, #tpu.memory_space<vmem>>)
        "tpu.region"() ({
          %run_scoped3A = tpu.sem_alloc : memref<!tpu.dma_semaphore, #tpu.memory_space<semaphore_mem>>
          %dma_start3A_34 = arith.constant 0 : i32
          %dma_start3A_35 = tpu.memref_slice %arg9[%add3A_23, %dma_start3A_34] : memref<104x128xi32, #tpu.memory_space<vmem>> -> memref<1x128xi32, #tpu.memory_space<vmem>>
          %dma_start3A_36 = tpu.memref_squeeze %dma_start3A_35 : memref<1x128xi32, #tpu.memory_space<vmem>> -> memref<128xi32, #tpu.memory_space<vmem>>
          %dma_start3A_37 = arith.constant 0 : i32
          %dma_start3A_38 = arith.constant 0 : i32
          %dma_start3A_39 = tpu.memref_slice %arg7[%dma_start3A_37, %dma_start3A_38] : memref<10240x128xf32, #tpu.memory_space<vmem_shared>> -> memref<10240x128xf32, #tpu.memory_space<vmem_shared>>
          tpu.enqueue_indirect_dma source(%arg10 : memref<128x128xf32, #tpu.memory_space<vmem>>) target(%dma_start3A_39 : memref<10240x128xf32, #tpu.memory_space<vmem_shared>>) offsets(%dma_start3A_36 : memref<128xi32, #tpu.memory_space<vmem>>) semaphore(%run_scoped3A : memref<!tpu.dma_semaphore, #tpu.memory_space<semaphore_mem>>) {add = true}
          %dma_wait3A_40 = arith.constant 0 : i32
          %dma_wait3A_41 = tpu.memref_slice %arg9[%add3A_23, %dma_wait3A_40] : memref<104x128xi32, #tpu.memory_space<vmem>> -> memref<1x128xi32, #tpu.memory_space<vmem>>
          %dma_wait3A_42 = tpu.memref_squeeze %dma_wait3A_41 : memref<1x128xi32, #tpu.memory_space<vmem>> -> memref<128xi32, #tpu.memory_space<vmem>>
          %dma_wait3A_43 = arith.constant 0 : i32
          %dma_wait3A_44 = arith.constant 0 : i32
          %dma_wait3A_45 = tpu.memref_slice %arg7[%dma_wait3A_43, %dma_wait3A_44] : memref<10240x128xf32, #tpu.memory_space<vmem_shared>> -> memref<10240x128xf32, #tpu.memory_space<vmem_shared>>
          tpu.wait_indirect_dma semaphore(%run_scoped3A : memref<!tpu.dma_semaphore, #tpu.memory_space<semaphore_mem>>) src(%arg10 : memref<128x128xf32, #tpu.memory_space<vmem>>) dst(%dma_wait3A_45 : memref<10240x128xf32, #tpu.memory_space<vmem_shared>>)
          tpu.yield
        }) : () -> ()
      }
      %scan3A_18 = arith.constant 104 : i32
    } else {
    }
    %eq3A_5 = arith.constant 1 : i32
    %eq3A_6 = arith.cmpi eq, %arg0, %eq3A_5 : i32
    %convert_element_type3A_7 = arith.extui %eq3A_6 : i1 to i32
    %cond3A_8 = arith.constant 0 : i32
    %cond3A_9 = arith.cmpi ne, %convert_element_type3A_7, %cond3A_8 : i32
    scf.if %cond3A_9 {
      %scan3A = arith.constant 0 : i32
      %scan3A_15 = arith.constant 53 : i32
      %scan3A_16 = arith.addi %scan3A, %scan3A_15 : i32
      %scan3A_17 = arith.constant 1 : i32
      scf.for %scan3A_19 = %scan3A to %scan3A_16 step %scan3A_17  : i32 {
        %mul3A_20 = arith.constant 1 : i32
        %mul3A_21 = arith.muli %scan3A_19, %mul3A_20 : i32
        %add3A_22 = arith.constant 0 : i32
        %add3A_23 = arith.addi %add3A_22, %mul3A_21 : i32
        %dma_start3A = arith.constant 0 : i32
        %dma_start3A_24 = tpu.memref_slice %arg8[%add3A_23, %dma_start3A] : memref<104x128xi32, #tpu.memory_space<vmem>> -> memref<1x128xi32, #tpu.memory_space<vmem>>
        %dma_start3A_25 = tpu.memref_squeeze %dma_start3A_24 : memref<1x128xi32, #tpu.memory_space<vmem>> -> memref<128xi32, #tpu.memory_space<vmem>>
        %dma_start3A_26 = arith.constant 0 : i32
        %dma_start3A_27 = arith.constant 0 : i32
        %dma_start3A_28 = tpu.memref_slice %arg2[%dma_start3A_26, %dma_start3A_27] : memref<10000x128xf32, #tpu.memory_space<hbm>> -> memref<10000x128xf32, #tpu.memory_space<hbm>>
        tpu.enqueue_indirect_dma source(%dma_start3A_28 : memref<10000x128xf32, #tpu.memory_space<hbm>>) target(%arg10 : memref<128x128xf32, #tpu.memory_space<vmem>>) offsets(%dma_start3A_25 : memref<128xi32, #tpu.memory_space<vmem>>) semaphore(%arg11 : memref<!tpu.dma_semaphore, #tpu.memory_space<semaphore_mem>>)
        %dma_wait3A = arith.constant 0 : i32
        %dma_wait3A_29 = tpu.memref_slice %arg8[%add3A_23, %dma_wait3A] : memref<104x128xi32, #tpu.memory_space<vmem>> -> memref<1x128xi32, #tpu.memory_space<vmem>>
        %dma_wait3A_30 = tpu.memref_squeeze %dma_wait3A_29 : memref<1x128xi32, #tpu.memory_space<vmem>> -> memref<128xi32, #tpu.memory_space<vmem>>
        %dma_wait3A_31 = arith.constant 0 : i32
        %dma_wait3A_32 = arith.constant 0 : i32
        %dma_wait3A_33 = tpu.memref_slice %arg2[%dma_wait3A_31, %dma_wait3A_32] : memref<10000x128xf32, #tpu.memory_space<hbm>> -> memref<10000x128xf32, #tpu.memory_space<hbm>>
        tpu.wait_indirect_dma semaphore(%arg11 : memref<!tpu.dma_semaphore, #tpu.memory_space<semaphore_mem>>) src(%dma_wait3A_33 : memref<10000x128xf32, #tpu.memory_space<hbm>>) dst(%arg10 : memref<128x128xf32, #tpu.memory_space<vmem>>)
        "tpu.region"() ({
          %run_scoped3A = tpu.sem_alloc : memref<!tpu.dma_semaphore, #tpu.memory_space<semaphore_mem>>
          %dma_start3A_34 = arith.constant 0 : i32
          %dma_start3A_35 = tpu.memref_slice %arg9[%add3A_23, %dma_start3A_34] : memref<104x128xi32, #tpu.memory_space<vmem>> -> memref<1x128xi32, #tpu.memory_space<vmem>>
          %dma_start3A_36 = tpu.memref_squeeze %dma_start3A_35 : memref<1x128xi32, #tpu.memory_space<vmem>> -> memref<128xi32, #tpu.memory_space<vmem>>
          %dma_start3A_37 = arith.constant 0 : i32
          %dma_start3A_38 = arith.constant 0 : i32
          %dma_start3A_39 = tpu.memref_slice %arg7[%dma_start3A_37, %dma_start3A_38] : memref<10240x128xf32, #tpu.memory_space<vmem_shared>> -> memref<10240x128xf32, #tpu.memory_space<vmem_shared>>
          tpu.enqueue_indirect_dma source(%arg10 : memref<128x128xf32, #tpu.memory_space<vmem>>) target(%dma_start3A_39 : memref<10240x128xf32, #tpu.memory_space<vmem_shared>>) offsets(%dma_start3A_36 : memref<128xi32, #tpu.memory_space<vmem>>) semaphore(%run_scoped3A : memref<!tpu.dma_semaphore, #tpu.memory_space<semaphore_mem>>) {add = true}
          %dma_wait3A_40 = arith.constant 0 : i32
          %dma_wait3A_41 = tpu.memref_slice %arg9[%add3A_23, %dma_wait3A_40] : memref<104x128xi32, #tpu.memory_space<vmem>> -> memref<1x128xi32, #tpu.memory_space<vmem>>
          %dma_wait3A_42 = tpu.memref_squeeze %dma_wait3A_41 : memref<1x128xi32, #tpu.memory_space<vmem>> -> memref<128xi32, #tpu.memory_space<vmem>>
          %dma_wait3A_43 = arith.constant 0 : i32
          %dma_wait3A_44 = arith.constant 0 : i32
          %dma_wait3A_45 = tpu.memref_slice %arg7[%dma_wait3A_43, %dma_wait3A_44] : memref<10240x128xf32, #tpu.memory_space<vmem_shared>> -> memref<10240x128xf32, #tpu.memory_space<vmem_shared>>
          tpu.wait_indirect_dma semaphore(%run_scoped3A : memref<!tpu.dma_semaphore, #tpu.memory_space<semaphore_mem>>) src(%arg10 : memref<128x128xf32, #tpu.memory_space<vmem>>) dst(%dma_wait3A_45 : memref<10240x128xf32, #tpu.memory_space<vmem_shared>>)
          tpu.yield
        }) : () -> ()
      }
      %scan3A_18 = arith.constant 53 : i32
    } else {
    }
    %barrier3A_10 = arith.constant 0 : index
    tpu.barrier barrier_id(%barrier3A_10)
    %mul3A_11 = arith.constant 640 : i32
    %mul3A_12 = arith.muli %arg1, %mul3A_11 : i32
    %mul3A_13 = arith.constant 640 : i32
    %mul3A_14 = arith.muli %arg1, %mul3A_13 : i32
    "tpu.region"() ({
      %run_scoped3A = tpu.sem_alloc : memref<!tpu.dma_semaphore, #tpu.memory_space<semaphore_mem>>
      %dma_start3A = arith.constant 0 : i32
      %dma_start3A_15 = tpu.memref_slice %arg6[%arg0, %mul3A_14, %dma_start3A] : memref<2x10240x128xf32, #tpu.memory_space<hbm>> -> memref<1x640x128xf32, #tpu.memory_space<hbm>>
      %dma_start3A_16 = tpu.memref_squeeze %dma_start3A_15 : memref<1x640x128xf32, #tpu.memory_space<hbm>> -> memref<640x128xf32, #tpu.memory_space<hbm>>
      %dma_start3A_17 = arith.constant 0 : i32
      %dma_start3A_18 = tpu.memref_slice %arg7[%mul3A_12, %dma_start3A_17] : memref<10240x128xf32, #tpu.memory_space<vmem_shared>> -> memref<640x128xf32, #tpu.memory_space<vmem_shared>>
      tpu.enqueue_dma source(%dma_start3A_18 : memref<640x128xf32, #tpu.memory_space<vmem_shared>>) target(%dma_start3A_16 : memref<640x128xf32, #tpu.memory_space<hbm>>) target_semaphore(%run_scoped3A : memref<!tpu.dma_semaphore, #tpu.memory_space<semaphore_mem>>)
      %dma_wait3A = arith.constant 0 : i32
      %dma_wait3A_19 = tpu.memref_slice %arg6[%arg0, %mul3A_14, %dma_wait3A] : memref<2x10240x128xf32, #tpu.memory_space<hbm>> -> memref<1x640x128xf32, #tpu.memory_space<hbm>>
      %dma_wait3A_20 = tpu.memref_squeeze %dma_wait3A_19 : memref<1x640x128xf32, #tpu.memory_space<hbm>> -> memref<640x128xf32, #tpu.memory_space<hbm>>
      %dma_wait3A_21 = arith.constant 0 : i32
      %dma_wait3A_22 = tpu.memref_slice %arg7[%mul3A_12, %dma_wait3A_21] : memref<10240x128xf32, #tpu.memory_space<vmem_shared>> -> memref<640x128xf32, #tpu.memory_space<vmem_shared>>
      tpu.wait_dma2 semaphore(%run_scoped3A : memref<!tpu.dma_semaphore, #tpu.memory_space<semaphore_mem>>) src(%dma_wait3A_22 : memref<640x128xf32, #tpu.memory_space<vmem_shared>>) dst(%dma_wait3A_20 : memref<640x128xf32, #tpu.memory_space<hbm>>)
      tpu.yield
    }) : () -> ()
    return
  }
}

#map = affine_map<(d0, d1) -> (0, 0)>
#map1 = affine_map<(d0, d1) -> (0, 0, 0)>
module attributes {stable_mosaic.version = 14 : i64} {
  func.func @_agg_kernel(%arg0: i32, %arg1: i32, %arg2: memref<10000x128xf32, #tpu.memory_space<hbm>>, %arg3: memref<32x104x128xi32, #tpu.memory_space<hbm>>, %arg4: memref<32x104x128xi32, #tpu.memory_space<hbm>>, %arg5: memref<640x128xf32, #tpu.memory_space<hbm>>, %arg6: memref<2x10240x128xf32, #tpu.memory_space<hbm>>, %arg7: memref<10240x128xf32, #tpu.memory_space<vmem_shared>>, %arg8: memref<104x128xi32, #tpu.memory_space<vmem>>, %arg9: memref<104x128xi32, #tpu.memory_space<vmem>>, %arg10: memref<128x128xf32, #tpu.memory_space<vmem>>, %arg11: memref<!tpu.dma_semaphore, #tpu.memory_space<semaphore_mem>>) attributes {dimension_semantics = [#tpu.dimension_semantics<core_parallel>, #tpu.dimension_semantics<subcore_parallel>], iteration_bounds = array<i64: 2, 16>, scalar_prefetch = 0 : i64, scratch_operands = 5 : i64, tpu.core_type = #tpu.core_type<sc_vector_subcore>, window_params = [{transform_indices = #map}, {transform_indices = #map1}, {transform_indices = #map1}, {transform_indices = #map}, {transform_indices = #map1}]} {
    %mul3A = arith.constant 16 : i32
    %mul3A_0 = arith.muli %arg0, %mul3A : i32
    %add3A = arith.addi %mul3A_0, %arg1 : i32
    %mul3A_1 = arith.constant 640 : i32
    %mul3A_2 = arith.muli %arg1, %mul3A_1 : i32
    "tpu.region"() ({
      %run_scoped3A = tpu.sem_alloc : memref<!tpu.dma_semaphore, #tpu.memory_space<semaphore_mem>>
      %dma_start3A = arith.constant 0 : i32
      %dma_start3A_15 = tpu.memref_slice %arg7[%mul3A_2, %dma_start3A] : memref<10240x128xf32, #tpu.memory_space<vmem_shared>> -> memref<640x128xf32, #tpu.memory_space<vmem_shared>>
      tpu.enqueue_dma source(%arg5 : memref<640x128xf32, #tpu.memory_space<hbm>>) target(%dma_start3A_15 : memref<640x128xf32, #tpu.memory_space<vmem_shared>>) target_semaphore(%run_scoped3A : memref<!tpu.dma_semaphore, #tpu.memory_space<semaphore_mem>>)
      %dma_wait3A = arith.constant 0 : i32
      %dma_wait3A_16 = tpu.memref_slice %arg7[%mul3A_2, %dma_wait3A] : memref<10240x128xf32, #tpu.memory_space<vmem_shared>> -> memref<640x128xf32, #tpu.memory_space<vmem_shared>>
      tpu.wait_dma2 semaphore(%run_scoped3A : memref<!tpu.dma_semaphore, #tpu.memory_space<semaphore_mem>>) src(%arg5 : memref<640x128xf32, #tpu.memory_space<hbm>>) dst(%dma_wait3A_16 : memref<640x128xf32, #tpu.memory_space<vmem_shared>>)
      tpu.yield
    }) : () -> ()
    "tpu.region"() ({
      %run_scoped3A = tpu.sem_alloc : memref<!tpu.dma_semaphore, #tpu.memory_space<semaphore_mem>>
      %dma_start3A = arith.constant 0 : i32
      %dma_start3A_15 = arith.constant 0 : i32
      %dma_start3A_16 = tpu.memref_slice %arg3[%add3A, %dma_start3A, %dma_start3A_15] : memref<32x104x128xi32, #tpu.memory_space<hbm>> -> memref<1x104x128xi32, #tpu.memory_space<hbm>>
      %dma_start3A_17 = tpu.memref_squeeze %dma_start3A_16 : memref<1x104x128xi32, #tpu.memory_space<hbm>> -> memref<104x128xi32, #tpu.memory_space<hbm>>
      %dma_start3A_18 = arith.constant 0 : i32
      %dma_start3A_19 = arith.constant 0 : i32
      %dma_start3A_20 = tpu.memref_slice %arg3[%add3A, %dma_start3A_18, %dma_start3A_19] : memref<32x104x128xi32, #tpu.memory_space<hbm>> -> memref<1x104x128xi32, #tpu.memory_space<hbm>>
      %dma_start3A_21 = tpu.memref_squeeze %dma_start3A_20 : memref<1x104x128xi32, #tpu.memory_space<hbm>> -> memref<104x128xi32, #tpu.memory_space<hbm>>
      tpu.enqueue_dma source(%dma_start3A_21 : memref<104x128xi32, #tpu.memory_space<hbm>>) target(%arg8 : memref<104x128xi32, #tpu.memory_space<vmem>>) target_semaphore(%run_scoped3A : memref<!tpu.dma_semaphore, #tpu.memory_space<semaphore_mem>>)
      %dma_wait3A = arith.constant 0 : i32
      %dma_wait3A_22 = arith.constant 0 : i32
      %dma_wait3A_23 = tpu.memref_slice %arg3[%add3A, %dma_wait3A, %dma_wait3A_22] : memref<32x104x128xi32, #tpu.memory_space<hbm>> -> memref<1x104x128xi32, #tpu.memory_space<hbm>>
      %dma_wait3A_24 = tpu.memref_squeeze %dma_wait3A_23 : memref<1x104x128xi32, #tpu.memory_space<hbm>> -> memref<104x128xi32, #tpu.memory_space<hbm>>
      %dma_wait3A_25 = arith.constant 0 : i32
      %dma_wait3A_26 = arith.constant 0 : i32
      %dma_wait3A_27 = tpu.memref_slice %arg3[%add3A, %dma_wait3A_25, %dma_wait3A_26] : memref<32x104x128xi32, #tpu.memory_space<hbm>> -> memref<1x104x128xi32, #tpu.memory_space<hbm>>
      %dma_wait3A_28 = tpu.memref_squeeze %dma_wait3A_27 : memref<1x104x128xi32, #tpu.memory_space<hbm>> -> memref<104x128xi32, #tpu.memory_space<hbm>>
      tpu.wait_dma2 semaphore(%run_scoped3A : memref<!tpu.dma_semaphore, #tpu.memory_space<semaphore_mem>>) src(%dma_wait3A_28 : memref<104x128xi32, #tpu.memory_space<hbm>>) dst(%arg8 : memref<104x128xi32, #tpu.memory_space<vmem>>)
      tpu.yield
    }) : () -> ()
    "tpu.region"() ({
      %run_scoped3A = tpu.sem_alloc : memref<!tpu.dma_semaphore, #tpu.memory_space<semaphore_mem>>
      %dma_start3A = arith.constant 0 : i32
      %dma_start3A_15 = arith.constant 0 : i32
      %dma_start3A_16 = tpu.memref_slice %arg4[%add3A, %dma_start3A, %dma_start3A_15] : memref<32x104x128xi32, #tpu.memory_space<hbm>> -> memref<1x104x128xi32, #tpu.memory_space<hbm>>
      %dma_start3A_17 = tpu.memref_squeeze %dma_start3A_16 : memref<1x104x128xi32, #tpu.memory_space<hbm>> -> memref<104x128xi32, #tpu.memory_space<hbm>>
      %dma_start3A_18 = arith.constant 0 : i32
      %dma_start3A_19 = arith.constant 0 : i32
      %dma_start3A_20 = tpu.memref_slice %arg4[%add3A, %dma_start3A_18, %dma_start3A_19] : memref<32x104x128xi32, #tpu.memory_space<hbm>> -> memref<1x104x128xi32, #tpu.memory_space<hbm>>
      %dma_start3A_21 = tpu.memref_squeeze %dma_start3A_20 : memref<1x104x128xi32, #tpu.memory_space<hbm>> -> memref<104x128xi32, #tpu.memory_space<hbm>>
      tpu.enqueue_dma source(%dma_start3A_21 : memref<104x128xi32, #tpu.memory_space<hbm>>) target(%arg9 : memref<104x128xi32, #tpu.memory_space<vmem>>) target_semaphore(%run_scoped3A : memref<!tpu.dma_semaphore, #tpu.memory_space<semaphore_mem>>)
      %dma_wait3A = arith.constant 0 : i32
      %dma_wait3A_22 = arith.constant 0 : i32
      %dma_wait3A_23 = tpu.memref_slice %arg4[%add3A, %dma_wait3A, %dma_wait3A_22] : memref<32x104x128xi32, #tpu.memory_space<hbm>> -> memref<1x104x128xi32, #tpu.memory_space<hbm>>
      %dma_wait3A_24 = tpu.memref_squeeze %dma_wait3A_23 : memref<1x104x128xi32, #tpu.memory_space<hbm>> -> memref<104x128xi32, #tpu.memory_space<hbm>>
      %dma_wait3A_25 = arith.constant 0 : i32
      %dma_wait3A_26 = arith.constant 0 : i32
      %dma_wait3A_27 = tpu.memref_slice %arg4[%add3A, %dma_wait3A_25, %dma_wait3A_26] : memref<32x104x128xi32, #tpu.memory_space<hbm>> -> memref<1x104x128xi32, #tpu.memory_space<hbm>>
      %dma_wait3A_28 = tpu.memref_squeeze %dma_wait3A_27 : memref<1x104x128xi32, #tpu.memory_space<hbm>> -> memref<104x128xi32, #tpu.memory_space<hbm>>
      tpu.wait_dma2 semaphore(%run_scoped3A : memref<!tpu.dma_semaphore, #tpu.memory_space<semaphore_mem>>) src(%dma_wait3A_28 : memref<104x128xi32, #tpu.memory_space<hbm>>) dst(%arg9 : memref<104x128xi32, #tpu.memory_space<vmem>>)
      tpu.yield
    }) : () -> ()
    %barrier3A = arith.constant 0 : index
    tpu.barrier barrier_id(%barrier3A)
    %eq3A = arith.constant 0 : i32
    %eq3A_3 = arith.cmpi eq, %arg0, %eq3A : i32
    %convert_element_type3A = arith.extui %eq3A_3 : i1 to i32
    %cond3A = arith.constant 0 : i32
    %cond3A_4 = arith.cmpi ne, %convert_element_type3A, %cond3A : i32
    scf.if %cond3A_4 {
      %scan3A = arith.constant 0 : i32
      %scan3A_15 = arith.constant 104 : i32
      %scan3A_16 = arith.addi %scan3A, %scan3A_15 : i32
      %scan3A_17 = arith.constant 1 : i32
      scf.for %scan3A_19 = %scan3A to %scan3A_16 step %scan3A_17  : i32 {
        %mul3A_20 = arith.constant 1 : i32
        %mul3A_21 = arith.muli %scan3A_19, %mul3A_20 : i32
        %add3A_22 = arith.constant 0 : i32
        %add3A_23 = arith.addi %add3A_22, %mul3A_21 : i32
        %dma_start3A = arith.constant 0 : i32
        %dma_start3A_24 = tpu.memref_slice %arg8[%add3A_23, %dma_start3A] : memref<104x128xi32, #tpu.memory_space<vmem>> -> memref<1x128xi32, #tpu.memory_space<vmem>>
        %dma_start3A_25 = tpu.memref_squeeze %dma_start3A_24 : memref<1x128xi32, #tpu.memory_space<vmem>> -> memref<128xi32, #tpu.memory_space<vmem>>
        %dma_start3A_26 = arith.constant 0 : i32
        %dma_start3A_27 = arith.constant 0 : i32
        %dma_start3A_28 = tpu.memref_slice %arg2[%dma_start3A_26, %dma_start3A_27] : memref<10000x128xf32, #tpu.memory_space<hbm>> -> memref<10000x128xf32, #tpu.memory_space<hbm>>
        tpu.enqueue_indirect_dma source(%dma_start3A_28 : memref<10000x128xf32, #tpu.memory_space<hbm>>) target(%arg10 : memref<128x128xf32, #tpu.memory_space<vmem>>) offsets(%dma_start3A_25 : memref<128xi32, #tpu.memory_space<vmem>>) semaphore(%arg11 : memref<!tpu.dma_semaphore, #tpu.memory_space<semaphore_mem>>)
        %dma_wait3A = arith.constant 0 : i32
        %dma_wait3A_29 = tpu.memref_slice %arg8[%add3A_23, %dma_wait3A] : memref<104x128xi32, #tpu.memory_space<vmem>> -> memref<1x128xi32, #tpu.memory_space<vmem>>
        %dma_wait3A_30 = tpu.memref_squeeze %dma_wait3A_29 : memref<1x128xi32, #tpu.memory_space<vmem>> -> memref<128xi32, #tpu.memory_space<vmem>>
        %dma_wait3A_31 = arith.constant 0 : i32
        %dma_wait3A_32 = arith.constant 0 : i32
        %dma_wait3A_33 = tpu.memref_slice %arg2[%dma_wait3A_31, %dma_wait3A_32] : memref<10000x128xf32, #tpu.memory_space<hbm>> -> memref<10000x128xf32, #tpu.memory_space<hbm>>
        tpu.wait_indirect_dma semaphore(%arg11 : memref<!tpu.dma_semaphore, #tpu.memory_space<semaphore_mem>>) src(%dma_wait3A_33 : memref<10000x128xf32, #tpu.memory_space<hbm>>) dst(%arg10 : memref<128x128xf32, #tpu.memory_space<vmem>>)
        "tpu.region"() ({
          %run_scoped3A = tpu.sem_alloc : memref<!tpu.dma_semaphore, #tpu.memory_space<semaphore_mem>>
          %dma_start3A_34 = arith.constant 0 : i32
          %dma_start3A_35 = tpu.memref_slice %arg9[%add3A_23, %dma_start3A_34] : memref<104x128xi32, #tpu.memory_space<vmem>> -> memref<1x128xi32, #tpu.memory_space<vmem>>
          %dma_start3A_36 = tpu.memref_squeeze %dma_start3A_35 : memref<1x128xi32, #tpu.memory_space<vmem>> -> memref<128xi32, #tpu.memory_space<vmem>>
          %dma_start3A_37 = arith.constant 0 : i32
          %dma_start3A_38 = arith.constant 0 : i32
          %dma_start3A_39 = tpu.memref_slice %arg7[%dma_start3A_37, %dma_start3A_38] : memref<10240x128xf32, #tpu.memory_space<vmem_shared>> -> memref<10240x128xf32, #tpu.memory_space<vmem_shared>>
          tpu.enqueue_indirect_dma source(%arg10 : memref<128x128xf32, #tpu.memory_space<vmem>>) target(%dma_start3A_39 : memref<10240x128xf32, #tpu.memory_space<vmem_shared>>) offsets(%dma_start3A_36 : memref<128xi32, #tpu.memory_space<vmem>>) semaphore(%run_scoped3A : memref<!tpu.dma_semaphore, #tpu.memory_space<semaphore_mem>>) {add = true}
          %dma_wait3A_40 = arith.constant 0 : i32
          %dma_wait3A_41 = tpu.memref_slice %arg9[%add3A_23, %dma_wait3A_40] : memref<104x128xi32, #tpu.memory_space<vmem>> -> memref<1x128xi32, #tpu.memory_space<vmem>>
          %dma_wait3A_42 = tpu.memref_squeeze %dma_wait3A_41 : memref<1x128xi32, #tpu.memory_space<vmem>> -> memref<128xi32, #tpu.memory_space<vmem>>
          %dma_wait3A_43 = arith.constant 0 : i32
          %dma_wait3A_44 = arith.constant 0 : i32
          %dma_wait3A_45 = tpu.memref_slice %arg7[%dma_wait3A_43, %dma_wait3A_44] : memref<10240x128xf32, #tpu.memory_space<vmem_shared>> -> memref<10240x128xf32, #tpu.memory_space<vmem_shared>>
          tpu.wait_indirect_dma semaphore(%run_scoped3A : memref<!tpu.dma_semaphore, #tpu.memory_space<semaphore_mem>>) src(%arg10 : memref<128x128xf32, #tpu.memory_space<vmem>>) dst(%dma_wait3A_45 : memref<10240x128xf32, #tpu.memory_space<vmem_shared>>)
          tpu.yield
        }) : () -> ()
      }
      %scan3A_18 = arith.constant 104 : i32
    } else {
    }
    %eq3A_5 = arith.constant 1 : i32
    %eq3A_6 = arith.cmpi eq, %arg0, %eq3A_5 : i32
    %convert_element_type3A_7 = arith.extui %eq3A_6 : i1 to i32
    %cond3A_8 = arith.constant 0 : i32
    %cond3A_9 = arith.cmpi ne, %convert_element_type3A_7, %cond3A_8 : i32
    scf.if %cond3A_9 {
      %scan3A = arith.constant 0 : i32
      %scan3A_15 = arith.constant 53 : i32
      %scan3A_16 = arith.addi %scan3A, %scan3A_15 : i32
      %scan3A_17 = arith.constant 1 : i32
      scf.for %scan3A_19 = %scan3A to %scan3A_16 step %scan3A_17  : i32 {
        %mul3A_20 = arith.constant 1 : i32
        %mul3A_21 = arith.muli %scan3A_19, %mul3A_20 : i32
        %add3A_22 = arith.constant 0 : i32
        %add3A_23 = arith.addi %add3A_22, %mul3A_21 : i32
        %dma_start3A = arith.constant 0 : i32
        %dma_start3A_24 = tpu.memref_slice %arg8[%add3A_23, %dma_start3A] : memref<104x128xi32, #tpu.memory_space<vmem>> -> memref<1x128xi32, #tpu.memory_space<vmem>>
        %dma_start3A_25 = tpu.memref_squeeze %dma_start3A_24 : memref<1x128xi32, #tpu.memory_space<vmem>> -> memref<128xi32, #tpu.memory_space<vmem>>
        %dma_start3A_26 = arith.constant 0 : i32
        %dma_start3A_27 = arith.constant 0 : i32
        %dma_start3A_28 = tpu.memref_slice %arg2[%dma_start3A_26, %dma_start3A_27] : memref<10000x128xf32, #tpu.memory_space<hbm>> -> memref<10000x128xf32, #tpu.memory_space<hbm>>
        tpu.enqueue_indirect_dma source(%dma_start3A_28 : memref<10000x128xf32, #tpu.memory_space<hbm>>) target(%arg10 : memref<128x128xf32, #tpu.memory_space<vmem>>) offsets(%dma_start3A_25 : memref<128xi32, #tpu.memory_space<vmem>>) semaphore(%arg11 : memref<!tpu.dma_semaphore, #tpu.memory_space<semaphore_mem>>)
        %dma_wait3A = arith.constant 0 : i32
        %dma_wait3A_29 = tpu.memref_slice %arg8[%add3A_23, %dma_wait3A] : memref<104x128xi32, #tpu.memory_space<vmem>> -> memref<1x128xi32, #tpu.memory_space<vmem>>
        %dma_wait3A_30 = tpu.memref_squeeze %dma_wait3A_29 : memref<1x128xi32, #tpu.memory_space<vmem>> -> memref<128xi32, #tpu.memory_space<vmem>>
        %dma_wait3A_31 = arith.constant 0 : i32
        %dma_wait3A_32 = arith.constant 0 : i32
        %dma_wait3A_33 = tpu.memref_slice %arg2[%dma_wait3A_31, %dma_wait3A_32] : memref<10000x128xf32, #tpu.memory_space<hbm>> -> memref<10000x128xf32, #tpu.memory_space<hbm>>
        tpu.wait_indirect_dma semaphore(%arg11 : memref<!tpu.dma_semaphore, #tpu.memory_space<semaphore_mem>>) src(%dma_wait3A_33 : memref<10000x128xf32, #tpu.memory_space<hbm>>) dst(%arg10 : memref<128x128xf32, #tpu.memory_space<vmem>>)
        "tpu.region"() ({
          %run_scoped3A = tpu.sem_alloc : memref<!tpu.dma_semaphore, #tpu.memory_space<semaphore_mem>>
          %dma_start3A_34 = arith.constant 0 : i32
          %dma_start3A_35 = tpu.memref_slice %arg9[%add3A_23, %dma_start3A_34] : memref<104x128xi32, #tpu.memory_space<vmem>> -> memref<1x128xi32, #tpu.memory_space<vmem>>
          %dma_start3A_36 = tpu.memref_squeeze %dma_start3A_35 : memref<1x128xi32, #tpu.memory_space<vmem>> -> memref<128xi32, #tpu.memory_space<vmem>>
          %dma_start3A_37 = arith.constant 0 : i32
          %dma_start3A_38 = arith.constant 0 : i32
          %dma_start3A_39 = tpu.memref_slice %arg7[%dma_start3A_37, %dma_start3A_38] : memref<10240x128xf32, #tpu.memory_space<vmem_shared>> -> memref<10240x128xf32, #tpu.memory_space<vmem_shared>>
          tpu.enqueue_indirect_dma source(%arg10 : memref<128x128xf32, #tpu.memory_space<vmem>>) target(%dma_start3A_39 : memref<10240x128xf32, #tpu.memory_space<vmem_shared>>) offsets(%dma_start3A_36 : memref<128xi32, #tpu.memory_space<vmem>>) semaphore(%run_scoped3A : memref<!tpu.dma_semaphore, #tpu.memory_space<semaphore_mem>>) {add = true}
          %dma_wait3A_40 = arith.constant 0 : i32
          %dma_wait3A_41 = tpu.memref_slice %arg9[%add3A_23, %dma_wait3A_40] : memref<104x128xi32, #tpu.memory_space<vmem>> -> memref<1x128xi32, #tpu.memory_space<vmem>>
          %dma_wait3A_42 = tpu.memref_squeeze %dma_wait3A_41 : memref<1x128xi32, #tpu.memory_space<vmem>> -> memref<128xi32, #tpu.memory_space<vmem>>
          %dma_wait3A_43 = arith.constant 0 : i32
          %dma_wait3A_44 = arith.constant 0 : i32
          %dma_wait3A_45 = tpu.memref_slice %arg7[%dma_wait3A_43, %dma_wait3A_44] : memref<10240x128xf32, #tpu.memory_space<vmem_shared>> -> memref<10240x128xf32, #tpu.memory_space<vmem_shared>>
          tpu.wait_indirect_dma semaphore(%run_scoped3A : memref<!tpu.dma_semaphore, #tpu.memory_space<semaphore_mem>>) src(%arg10 : memref<128x128xf32, #tpu.memory_space<vmem>>) dst(%dma_wait3A_45 : memref<10240x128xf32, #tpu.memory_space<vmem_shared>>)
          tpu.yield
        }) : () -> ()
      }
      %scan3A_18 = arith.constant 53 : i32
    } else {
    }
    %barrier3A_10 = arith.constant 0 : index
    tpu.barrier barrier_id(%barrier3A_10)
    %mul3A_11 = arith.constant 640 : i32
    %mul3A_12 = arith.muli %arg1, %mul3A_11 : i32
    %mul3A_13 = arith.constant 640 : i32
    %mul3A_14 = arith.muli %arg1, %mul3A_13 : i32
    "tpu.region"() ({
      %run_scoped3A = tpu.sem_alloc : memref<!tpu.dma_semaphore, #tpu.memory_space<semaphore_mem>>
      %dma_start3A = arith.constant 0 : i32
      %dma_start3A_15 = tpu.memref_slice %arg6[%arg0, %mul3A_14, %dma_start3A] : memref<2x10240x128xf32, #tpu.memory_space<hbm>> -> memref<1x640x128xf32, #tpu.memory_space<hbm>>
      %dma_start3A_16 = tpu.memref_squeeze %dma_start3A_15 : memref<1x640x128xf32, #tpu.memory_space<hbm>> -> memref<640x128xf32, #tpu.memory_space<hbm>>
      %dma_start3A_17 = arith.constant 0 : i32
      %dma_start3A_18 = tpu.memref_slice %arg7[%mul3A_12, %dma_start3A_17] : memref<10240x128xf32, #tpu.memory_space<vmem_shared>> -> memref<640x128xf32, #tpu.memory_space<vmem_shared>>
      tpu.enqueue_dma source(%dma_start3A_18 : memref<640x128xf32, #tpu.memory_space<vmem_shared>>) target(%dma_start3A_16 : memref<640x128xf32, #tpu.memory_space<hbm>>) target_semaphore(%run_scoped3A : memref<!tpu.dma_semaphore, #tpu.memory_space<semaphore_mem>>)
      %dma_wait3A = arith.constant 0 : i32
      %dma_wait3A_19 = tpu.memref_slice %arg6[%arg0, %mul3A_14, %dma_wait3A] : memref<2x10240x128xf32, #tpu.memory_space<hbm>> -> memref<1x640x128xf32, #tpu.memory_space<hbm>>
      %dma_wait3A_20 = tpu.memref_squeeze %dma_wait3A_19 : memref<1x640x128xf32, #tpu.memory_space<hbm>> -> memref<640x128xf32, #tpu.memory_space<hbm>>
      %dma_wait3A_21 = arith.constant 0 : i32
      %dma_wait3A_22 = tpu.memref_slice %arg7[%mul3A_12, %dma_wait3A_21] : memref<10240x128xf32, #tpu.memory_space<vmem_shared>> -> memref<640x128xf32, #tpu.memory_space<vmem_shared>>
      tpu.wait_dma2 semaphore(%run_scoped3A : memref<!tpu.dma_semaphore, #tpu.memory_space<semaphore_mem>>) src(%dma_wait3A_22 : memref<640x128xf32, #tpu.memory_space<vmem_shared>>) dst(%dma_wait3A_20 : memref<640x128xf32, #tpu.memory_space<hbm>>)
      tpu.yield
    }) : () -> ()
    return
  }
}

#map = affine_map<(d0, d1) -> (0, 0, 0)>
#map1 = affine_map<(d0, d1) -> (0, 0)>
module attributes {stable_mosaic.version = 14 : i64} {
  func.func @_deg_kernel(%arg0: i32, %arg1: i32, %arg2: memref<32x79x128xi32, #tpu.memory_space<hbm>>, %arg3: memref<640x128xf32, #tpu.memory_space<hbm>>, %arg4: memref<128x128xf32, #tpu.memory_space<hbm>>, %arg5: memref<2x10240x128xf32, #tpu.memory_space<hbm>>, %arg6: memref<10240x128xf32, #tpu.memory_space<vmem_shared>>, %arg7: memref<79x128xi32, #tpu.memory_space<vmem>>, %arg8: memref<128x128xf32, #tpu.memory_space<vmem>>) attributes {dimension_semantics = [#tpu.dimension_semantics<core_parallel>, #tpu.dimension_semantics<subcore_parallel>], iteration_bounds = array<i64: 2, 16>, scalar_prefetch = 0 : i64, scratch_operands = 3 : i64, tpu.core_type = #tpu.core_type<sc_vector_subcore>, window_params = [{transform_indices = #map}, {transform_indices = #map1}, {transform_indices = #map1}, {transform_indices = #map}]} {
    %mul3A = arith.constant 16 : i32
    %mul3A_0 = arith.muli %arg0, %mul3A : i32
    %add3A = arith.addi %mul3A_0, %arg1 : i32
    %mul3A_1 = arith.constant 640 : i32
    %mul3A_2 = arith.muli %arg1, %mul3A_1 : i32
    "tpu.region"() ({
      %run_scoped3A = tpu.sem_alloc : memref<!tpu.dma_semaphore, #tpu.memory_space<semaphore_mem>>
      %dma_start3A = arith.constant 0 : i32
      %dma_start3A_12 = tpu.memref_slice %arg6[%mul3A_2, %dma_start3A] : memref<10240x128xf32, #tpu.memory_space<vmem_shared>> -> memref<640x128xf32, #tpu.memory_space<vmem_shared>>
      tpu.enqueue_dma source(%arg3 : memref<640x128xf32, #tpu.memory_space<hbm>>) target(%dma_start3A_12 : memref<640x128xf32, #tpu.memory_space<vmem_shared>>) target_semaphore(%run_scoped3A : memref<!tpu.dma_semaphore, #tpu.memory_space<semaphore_mem>>)
      %dma_wait3A = arith.constant 0 : i32
      %dma_wait3A_13 = tpu.memref_slice %arg6[%mul3A_2, %dma_wait3A] : memref<10240x128xf32, #tpu.memory_space<vmem_shared>> -> memref<640x128xf32, #tpu.memory_space<vmem_shared>>
      tpu.wait_dma2 semaphore(%run_scoped3A : memref<!tpu.dma_semaphore, #tpu.memory_space<semaphore_mem>>) src(%arg3 : memref<640x128xf32, #tpu.memory_space<hbm>>) dst(%dma_wait3A_13 : memref<640x128xf32, #tpu.memory_space<vmem_shared>>)
      tpu.yield
    }) : () -> ()
    "tpu.region"() ({
      %run_scoped3A = tpu.sem_alloc : memref<!tpu.dma_semaphore, #tpu.memory_space<semaphore_mem>>
      %dma_start3A = arith.constant 0 : i32
      %dma_start3A_12 = arith.constant 0 : i32
      %dma_start3A_13 = tpu.memref_slice %arg2[%add3A, %dma_start3A, %dma_start3A_12] : memref<32x79x128xi32, #tpu.memory_space<hbm>> -> memref<1x79x128xi32, #tpu.memory_space<hbm>>
      %dma_start3A_14 = tpu.memref_squeeze %dma_start3A_13 : memref<1x79x128xi32, #tpu.memory_space<hbm>> -> memref<79x128xi32, #tpu.memory_space<hbm>>
      %dma_start3A_15 = arith.constant 0 : i32
      %dma_start3A_16 = arith.constant 0 : i32
      %dma_start3A_17 = tpu.memref_slice %arg2[%add3A, %dma_start3A_15, %dma_start3A_16] : memref<32x79x128xi32, #tpu.memory_space<hbm>> -> memref<1x79x128xi32, #tpu.memory_space<hbm>>
      %dma_start3A_18 = tpu.memref_squeeze %dma_start3A_17 : memref<1x79x128xi32, #tpu.memory_space<hbm>> -> memref<79x128xi32, #tpu.memory_space<hbm>>
      tpu.enqueue_dma source(%dma_start3A_18 : memref<79x128xi32, #tpu.memory_space<hbm>>) target(%arg7 : memref<79x128xi32, #tpu.memory_space<vmem>>) target_semaphore(%run_scoped3A : memref<!tpu.dma_semaphore, #tpu.memory_space<semaphore_mem>>)
      %dma_wait3A = arith.constant 0 : i32
      %dma_wait3A_19 = arith.constant 0 : i32
      %dma_wait3A_20 = tpu.memref_slice %arg2[%add3A, %dma_wait3A, %dma_wait3A_19] : memref<32x79x128xi32, #tpu.memory_space<hbm>> -> memref<1x79x128xi32, #tpu.memory_space<hbm>>
      %dma_wait3A_21 = tpu.memref_squeeze %dma_wait3A_20 : memref<1x79x128xi32, #tpu.memory_space<hbm>> -> memref<79x128xi32, #tpu.memory_space<hbm>>
      %dma_wait3A_22 = arith.constant 0 : i32
      %dma_wait3A_23 = arith.constant 0 : i32
      %dma_wait3A_24 = tpu.memref_slice %arg2[%add3A, %dma_wait3A_22, %dma_wait3A_23] : memref<32x79x128xi32, #tpu.memory_space<hbm>> -> memref<1x79x128xi32, #tpu.memory_space<hbm>>
      %dma_wait3A_25 = tpu.memref_squeeze %dma_wait3A_24 : memref<1x79x128xi32, #tpu.memory_space<hbm>> -> memref<79x128xi32, #tpu.memory_space<hbm>>
      tpu.wait_dma2 semaphore(%run_scoped3A : memref<!tpu.dma_semaphore, #tpu.memory_space<semaphore_mem>>) src(%dma_wait3A_25 : memref<79x128xi32, #tpu.memory_space<hbm>>) dst(%arg7 : memref<79x128xi32, #tpu.memory_space<vmem>>)
      tpu.yield
    }) : () -> ()
    "tpu.region"() ({
      %run_scoped3A = tpu.sem_alloc : memref<!tpu.dma_semaphore, #tpu.memory_space<semaphore_mem>>
      tpu.enqueue_dma source(%arg4 : memref<128x128xf32, #tpu.memory_space<hbm>>) target(%arg8 : memref<128x128xf32, #tpu.memory_space<vmem>>) target_semaphore(%run_scoped3A : memref<!tpu.dma_semaphore, #tpu.memory_space<semaphore_mem>>)
      tpu.wait_dma2 semaphore(%run_scoped3A : memref<!tpu.dma_semaphore, #tpu.memory_space<semaphore_mem>>) src(%arg4 : memref<128x128xf32, #tpu.memory_space<hbm>>) dst(%arg8 : memref<128x128xf32, #tpu.memory_space<vmem>>)
      tpu.yield
    }) : () -> ()
    %barrier3A = arith.constant 0 : index
    tpu.barrier barrier_id(%barrier3A)
    %scan3A = arith.constant 0 : i32
    %scan3A_3 = arith.constant 79 : i32
    %scan3A_4 = arith.addi %scan3A, %scan3A_3 : i32
    %scan3A_5 = arith.constant 1 : i32
    scf.for %scan3A_12 = %scan3A to %scan3A_4 step %scan3A_5  : i32 {
      %mul3A_13 = arith.constant 1 : i32
      %mul3A_14 = arith.muli %scan3A_12, %mul3A_13 : i32
      %add3A_15 = arith.constant 0 : i32
      %add3A_16 = arith.addi %add3A_15, %mul3A_14 : i32
      "tpu.region"() ({
        %run_scoped3A = tpu.sem_alloc : memref<!tpu.dma_semaphore, #tpu.memory_space<semaphore_mem>>
        %dma_start3A = arith.constant 0 : i32
        %dma_start3A_17 = tpu.memref_slice %arg7[%add3A_16, %dma_start3A] : memref<79x128xi32, #tpu.memory_space<vmem>> -> memref<1x128xi32, #tpu.memory_space<vmem>>
        %dma_start3A_18 = tpu.memref_squeeze %dma_start3A_17 : memref<1x128xi32, #tpu.memory_space<vmem>> -> memref<128xi32, #tpu.memory_space<vmem>>
        %dma_start3A_19 = arith.constant 0 : i32
        %dma_start3A_20 = arith.constant 0 : i32
        %dma_start3A_21 = tpu.memref_slice %arg6[%dma_start3A_19, %dma_start3A_20] : memref<10240x128xf32, #tpu.memory_space<vmem_shared>> -> memref<10240x128xf32, #tpu.memory_space<vmem_shared>>
        tpu.enqueue_indirect_dma source(%arg8 : memref<128x128xf32, #tpu.memory_space<vmem>>) target(%dma_start3A_21 : memref<10240x128xf32, #tpu.memory_space<vmem_shared>>) offsets(%dma_start3A_18 : memref<128xi32, #tpu.memory_space<vmem>>) semaphore(%run_scoped3A : memref<!tpu.dma_semaphore, #tpu.memory_space<semaphore_mem>>) {add = true}
        %dma_wait3A = arith.constant 0 : i32
        %dma_wait3A_22 = tpu.memref_slice %arg7[%add3A_16, %dma_wait3A] : memref<79x128xi32, #tpu.memory_space<vmem>> -> memref<1x128xi32, #tpu.memory_space<vmem>>
        %dma_wait3A_23 = tpu.memref_squeeze %dma_wait3A_22 : memref<1x128xi32, #tpu.memory_space<vmem>> -> memref<128xi32, #tpu.memory_space<vmem>>
        %dma_wait3A_24 = arith.constant 0 : i32
        %dma_wait3A_25 = arith.constant 0 : i32
        %dma_wait3A_26 = tpu.memref_slice %arg6[%dma_wait3A_24, %dma_wait3A_25] : memref<10240x128xf32, #tpu.memory_space<vmem_shared>> -> memref<10240x128xf32, #tpu.memory_space<vmem_shared>>
        tpu.wait_indirect_dma semaphore(%run_scoped3A : memref<!tpu.dma_semaphore, #tpu.memory_space<semaphore_mem>>) src(%arg8 : memref<128x128xf32, #tpu.memory_space<vmem>>) dst(%dma_wait3A_26 : memref<10240x128xf32, #tpu.memory_space<vmem_shared>>)
        tpu.yield
      }) : () -> ()
    }
    %scan3A_6 = arith.constant 79 : i32
    %barrier3A_7 = arith.constant 0 : index
    tpu.barrier barrier_id(%barrier3A_7)
    %mul3A_8 = arith.constant 640 : i32
    %mul3A_9 = arith.muli %arg1, %mul3A_8 : i32
    %mul3A_10 = arith.constant 640 : i32
    %mul3A_11 = arith.muli %arg1, %mul3A_10 : i32
    "tpu.region"() ({
      %run_scoped3A = tpu.sem_alloc : memref<!tpu.dma_semaphore, #tpu.memory_space<semaphore_mem>>
      %dma_start3A = arith.constant 0 : i32
      %dma_start3A_12 = tpu.memref_slice %arg5[%arg0, %mul3A_11, %dma_start3A] : memref<2x10240x128xf32, #tpu.memory_space<hbm>> -> memref<1x640x128xf32, #tpu.memory_space<hbm>>
      %dma_start3A_13 = tpu.memref_squeeze %dma_start3A_12 : memref<1x640x128xf32, #tpu.memory_space<hbm>> -> memref<640x128xf32, #tpu.memory_space<hbm>>
      %dma_start3A_14 = arith.constant 0 : i32
      %dma_start3A_15 = tpu.memref_slice %arg6[%mul3A_9, %dma_start3A_14] : memref<10240x128xf32, #tpu.memory_space<vmem_shared>> -> memref<640x128xf32, #tpu.memory_space<vmem_shared>>
      tpu.enqueue_dma source(%dma_start3A_15 : memref<640x128xf32, #tpu.memory_space<vmem_shared>>) target(%dma_start3A_13 : memref<640x128xf32, #tpu.memory_space<hbm>>) target_semaphore(%run_scoped3A : memref<!tpu.dma_semaphore, #tpu.memory_space<semaphore_mem>>)
      %dma_wait3A = arith.constant 0 : i32
      %dma_wait3A_16 = tpu.memref_slice %arg5[%arg0, %mul3A_11, %dma_wait3A] : memref<2x10240x128xf32, #tpu.memory_space<hbm>> -> memref<1x640x128xf32, #tpu.memory_space<hbm>>
      %dma_wait3A_17 = tpu.memref_squeeze %dma_wait3A_16 : memref<1x640x128xf32, #tpu.memory_space<hbm>> -> memref<640x128xf32, #tpu.memory_space<hbm>>
      %dma_wait3A_18 = arith.constant 0 : i32
      %dma_wait3A_19 = tpu.memref_slice %arg6[%mul3A_9, %dma_wait3A_18] : memref<10240x128xf32, #tpu.memory_space<vmem_shared>> -> memref<640x128xf32, #tpu.memory_space<vmem_shared>>
      tpu.wait_dma2 semaphore(%run_scoped3A : memref<!tpu.dma_semaphore, #tpu.memory_space<semaphore_mem>>) src(%dma_wait3A_19 : memref<640x128xf32, #tpu.memory_space<vmem_shared>>) dst(%dma_wait3A_17 : memref<640x128xf32, #tpu.memory_space<hbm>>)
      tpu.yield
    }) : () -> ()
    return
  }
}

module attributes {stable_mosaic.version = 14 : i64} {
  func.func @_enc_body(%arg0: i32, %arg1: memref<2000x128xf32, #tpu.memory_space<vmem>>, %arg2: memref<128x128xf32, #tpu.memory_space<vmem>>, %arg3: memref<1x128xf32, #tpu.memory_space<vmem>>, %arg4: memref<2000x128xf32, #tpu.memory_space<vmem>>) attributes {dimension_semantics = [#tpu.dimension_semantics<arbitrary>], iteration_bounds = array<i64: 5>, scalar_prefetch = 0 : i64, scratch_operands = 0 : i64, tpu.core_type = #tpu.core_type<tc>, window_params = [{transform_indices = @transform_0, window_bounds = array<i64: 2000, 128>}, {pipeline_mode = #tpu.pipeline_mode<synchronous>, transform_indices = @transform_1, window_bounds = array<i64: 128, 128>}, {pipeline_mode = #tpu.pipeline_mode<synchronous>, transform_indices = @transform_2, window_bounds = array<i64: 1, 128>}, {transform_indices = @transform_3, window_bounds = array<i64: 2000, 128>}]} {
    %get3A = arith.constant 0 : index
    %get3A_0 = arith.constant 0 : index
    %get3A_1 = vector.load %arg1[%get3A, %get3A_0] : memref<2000x128xf32, #tpu.memory_space<vmem>>, vector<2000x128xf32>
    %get3A_2 = arith.constant 0 : index
    %get3A_3 = arith.constant 0 : index
    %get3A_4 = vector.load %arg2[%get3A_2, %get3A_3] : memref<128x128xf32, #tpu.memory_space<vmem>>, vector<128x128xf32>
    %dot_general3A = arith.constant dense<0.000000e+00> : vector<2000x128xf32>
    %dot_general3A_5 = tpu.matmul %get3A_1, %get3A_4, %dot_general3A {dimension_numbers = #tpu.dot_dimension_numbers<[1], [0], [0], [1], [0, 0, 1, 1], [], []>, transpose_lhs_hint = false} : vector<2000x128xf32>, vector<128x128xf32>, vector<2000x128xf32> -> vector<2000x128xf32>
    %get3A_6 = arith.constant 0 : index
    %get3A_7 = arith.constant 0 : index
    %get3A_8 = vector.load %arg3[%get3A_6, %get3A_7] : memref<1x128xf32, #tpu.memory_space<vmem>>, vector<1x128xf32>
    %add3A = vector.broadcast %get3A_8 : vector<1x128xf32> to vector<2000x128xf32>
    %add3A_9 = arith.addf %dot_general3A_5, %add3A : vector<2000x128xf32>
    %swap3A = arith.constant 0 : index
    %swap3A_10 = arith.constant 0 : index
    %swap3A_11 = vector.load %arg4[%swap3A, %swap3A_10] : memref<2000x128xf32, #tpu.memory_space<vmem>>, vector<2000x128xf32>
    tpu.vector_store %arg4[%swap3A, %swap3A_10], %add3A_9 {strides = array<i32>} : memref<2000x128xf32, #tpu.memory_space<vmem>>, vector<2000x128xf32>,
    return
  }
  func.func @transform_0(%arg0: i32) -> (i32, i32) {
    %c0_i32 = arith.constant 0 : i32
    %c0_i32_0 = arith.constant 0 : i32
    return %arg0, %c0_i32 : i32, i32
  }
  func.func @transform_1(%arg0: i32) -> (i32, i32) {
    %c0_i32 = arith.constant 0 : i32
    %c0_i32_0 = arith.constant 0 : i32
    %c0_i32_1 = arith.constant 0 : i32
    return %c0_i32, %c0_i32_0 : i32, i32
  }
  func.func @transform_2(%arg0: i32) -> (i32, i32) {
    %c0_i32 = arith.constant 0 : i32
    %c0_i32_0 = arith.constant 0 : i32
    %c0_i32_1 = arith.constant 0 : i32
    return %c0_i32, %c0_i32_0 : i32, i32
  }
  func.func @transform_3(%arg0: i32) -> (i32, i32) {
    %c0_i32 = arith.constant 0 : i32
    %c0_i32_0 = arith.constant 0 : i32
    return %arg0, %c0_i32 : i32, i32
  }
}

module attributes {stable_mosaic.version = 14 : i64} {
  func.func @_layer_body(%arg0: i32, %arg1: memref<2000x128xf32, #tpu.memory_space<vmem>>, %arg2: memref<2x2000x128xf32, #tpu.memory_space<vmem>>, %arg3: memref<2x2000x16xf32, #tpu.memory_space<vmem>>, %arg4: memref<128x128xf32, #tpu.memory_space<vmem>>, %arg5: memref<128x128xf32, #tpu.memory_space<vmem>>, %arg6: memref<1x128xf32, #tpu.memory_space<vmem>>, %arg7: memref<1x128xf32, #tpu.memory_space<vmem>>, %arg8: memref<1x128xf32, #tpu.memory_space<vmem>>, %arg9: memref<2000x128xf32, #tpu.memory_space<vmem>>) attributes {dimension_semantics = [#tpu.dimension_semantics<arbitrary>], iteration_bounds = array<i64: 5>, scalar_prefetch = 0 : i64, scratch_operands = 0 : i64, tpu.core_type = #tpu.core_type<tc>, window_params = [{transform_indices = @transform_0, window_bounds = array<i64: 2000, 128>}, {transform_indices = @transform_1, window_bounds = array<i64: 2, 2000, 128>}, {transform_indices = @transform_2, window_bounds = array<i64: 2, 2000, 16>}, {pipeline_mode = #tpu.pipeline_mode<synchronous>, transform_indices = @transform_3, window_bounds = array<i64: 128, 128>}, {pipeline_mode = #tpu.pipeline_mode<synchronous>, transform_indices = @transform_4, window_bounds = array<i64: 128, 128>}, {pipeline_mode = #tpu.pipeline_mode<synchronous>, transform_indices = @transform_5, window_bounds = array<i64: 1, 128>}, {pipeline_mode = #tpu.pipeline_mode<synchronous>, transform_indices = @transform_6, window_bounds = array<i64: 1, 128>}, {pipeline_mode = #tpu.pipeline_mode<synchronous>, transform_indices = @transform_7, window_bounds = array<i64: 1, 128>}, {transform_indices = @transform_8, window_bounds = array<i64: 2000, 128>}]} {
    %get3A = arith.constant 0 : index
    %get3A_0 = arith.constant 0 : index
    %get3A_1 = arith.constant 0 : index
    %get3A_2 = vector.load %arg3[%get3A, %get3A_0, %get3A_1] : memref<2x2000x16xf32, #tpu.memory_space<vmem>>, vector<1x2000x1xf32>
    %get3A_3 = vector.shape_cast %get3A_2 : vector<1x2000x1xf32> to vector<2000x1xf32>
    %get3A_4 = arith.constant 1 : index
    %get3A_5 = arith.constant 0 : index
    %get3A_6 = arith.constant 0 : index
    %get3A_7 = vector.load %arg3[%get3A_4, %get3A_5, %get3A_6] : memref<2x2000x16xf32, #tpu.memory_space<vmem>>, vector<1x2000x1xf32>
    %get3A_8 = vector.shape_cast %get3A_7 : vector<1x2000x1xf32> to vector<2000x1xf32>
    %add3A = arith.addf %get3A_3, %get3A_8 : vector<2000x1xf32>
    %max3A = arith.constant 1.000000e+00 : f32
    %max3A_9 = vector.broadcast %max3A : f32 to vector<2000x1xf32>
    %max3A_10 = arith.maximumf %add3A, %max3A_9 : vector<2000x1xf32>
    %get3A_11 = arith.constant 0 : index
    %get3A_12 = arith.constant 0 : index
    %get3A_13 = arith.constant 0 : index
    %get3A_14 = vector.load %arg2[%get3A_11, %get3A_12, %get3A_13] : memref<2x2000x128xf32, #tpu.memory_space<vmem>>, vector<1x2000x128xf32>
    %get3A_15 = vector.shape_cast %get3A_14 : vector<1x2000x128xf32> to vector<2000x128xf32>
    %get3A_16 = arith.constant 1 : index
    %get3A_17 = arith.constant 0 : index
    %get3A_18 = arith.constant 0 : index
    %get3A_19 = vector.load %arg2[%get3A_16, %get3A_17, %get3A_18] : memref<2x2000x128xf32, #tpu.memory_space<vmem>>, vector<1x2000x128xf32>
    %get3A_20 = vector.shape_cast %get3A_19 : vector<1x2000x128xf32> to vector<2000x128xf32>
    %add3A_21 = arith.addf %get3A_15, %get3A_20 : vector<2000x128xf32>
    %div3A = vector.broadcast %max3A_10 : vector<2000x1xf32> to vector<2000x128xf32>
    %div3A_22 = arith.divf %add3A_21, %div3A : vector<2000x128xf32>
    %get3A_23 = arith.constant 0 : index
    %get3A_24 = arith.constant 0 : index
    %get3A_25 = vector.load %arg1[%get3A_23, %get3A_24] : memref<2000x128xf32, #tpu.memory_space<vmem>>, vector<2000x128xf32>
    %get3A_26 = arith.constant 0 : index
    %get3A_27 = arith.constant 0 : index
    %get3A_28 = vector.load %arg4[%get3A_26, %get3A_27] : memref<128x128xf32, #tpu.memory_space<vmem>>, vector<128x128xf32>
    %dot_general3A = arith.constant dense<0.000000e+00> : vector<2000x128xf32>
    %dot_general3A_29 = tpu.matmul %get3A_25, %get3A_28, %dot_general3A {dimension_numbers = #tpu.dot_dimension_numbers<[1], [0], [0], [1], [0, 0, 1, 1], [], []>, transpose_lhs_hint = false} : vector<2000x128xf32>, vector<128x128xf32>, vector<2000x128xf32> -> vector<2000x128xf32>
    %get3A_30 = arith.constant 0 : index
    %get3A_31 = arith.constant 0 : index
    %get3A_32 = vector.load %arg5[%get3A_30, %get3A_31] : memref<128x128xf32, #tpu.memory_space<vmem>>, vector<128x128xf32>
    %dot_general3A_33 = arith.constant dense<0.000000e+00> : vector<2000x128xf32>
    %dot_general3A_34 = tpu.matmul %div3A_22, %get3A_32, %dot_general3A_33 {dimension_numbers = #tpu.dot_dimension_numbers<[1], [0], [0], [1], [0, 0, 1, 1], [], []>, transpose_lhs_hint = false} : vector<2000x128xf32>, vector<128x128xf32>, vector<2000x128xf32> -> vector<2000x128xf32>
    %add3A_35 = arith.addf %dot_general3A_29, %dot_general3A_34 : vector<2000x128xf32>
    %get3A_36 = arith.constant 0 : index
    %get3A_37 = arith.constant 0 : index
    %get3A_38 = vector.load %arg6[%get3A_36, %get3A_37] : memref<1x128xf32, #tpu.memory_space<vmem>>, vector<1x128xf32>
    %add3A_39 = vector.broadcast %get3A_38 : vector<1x128xf32> to vector<2000x128xf32>
    %add3A_40 = arith.addf %add3A_35, %add3A_39 : vector<2000x128xf32>
    %max3A_41 = arith.constant 0.000000e+00 : f32
    %max3A_42 = vector.broadcast %max3A_41 : f32 to vector<2000x128xf32>
    %max3A_43 = arith.maximumf %add3A_40, %max3A_42 : vector<2000x128xf32>
    %get3A_44 = arith.constant 0 : index
    %get3A_45 = arith.constant 0 : index
    %get3A_46 = vector.load %arg7[%get3A_44, %get3A_45] : memref<1x128xf32, #tpu.memory_space<vmem>>, vector<1x128xf32>
    %mul3A = arith.constant 0.999994993 : f32
    %mul3A_47 = vector.broadcast %mul3A : f32 to vector<1x128xf32>
    %mul3A_48 = arith.mulf %get3A_46, %mul3A_47 : vector<1x128xf32>
    %mul3A_49 = vector.broadcast %mul3A_48 : vector<1x128xf32> to vector<2000x128xf32>
    %mul3A_50 = arith.mulf %max3A_43, %mul3A_49 : vector<2000x128xf32>
    %get3A_51 = arith.constant 0 : index
    %get3A_52 = arith.constant 0 : index
    %get3A_53 = vector.load %arg8[%get3A_51, %get3A_52] : memref<1x128xf32, #tpu.memory_space<vmem>>, vector<1x128xf32>
    %add3A_54 = vector.broadcast %get3A_53 : vector<1x128xf32> to vector<2000x128xf32>
    %add3A_55 = arith.addf %mul3A_50, %add3A_54 : vector<2000x128xf32>
    %swap3A = arith.constant 0 : index
    %swap3A_56 = arith.constant 0 : index
    %swap3A_57 = vector.load %arg9[%swap3A, %swap3A_56] : memref<2000x128xf32, #tpu.memory_space<vmem>>, vector<2000x128xf32>
    tpu.vector_store %arg9[%swap3A, %swap3A_56], %add3A_55 {strides = array<i32>} : memref<2000x128xf32, #tpu.memory_space<vmem>>, vector<2000x128xf32>,
    return
  }
  func.func @transform_0(%arg0: i32) -> (i32, i32) {
    %c0_i32 = arith.constant 0 : i32
    %c0_i32_0 = arith.constant 0 : i32
    return %arg0, %c0_i32 : i32, i32
  }
  func.func @transform_1(%arg0: i32) -> (i32, i32, i32) {
    %c0_i32 = arith.constant 0 : i32
    %c0_i32_0 = arith.constant 0 : i32
    %c0_i32_1 = arith.constant 0 : i32
    return %c0_i32, %arg0, %c0_i32_0 : i32, i32, i32
  }
  func.func @transform_2(%arg0: i32) -> (i32, i32, i32) {
    %c0_i32 = arith.constant 0 : i32
    %c0_i32_0 = arith.constant 0 : i32
    %c0_i32_1 = arith.constant 0 : i32
    return %c0_i32, %arg0, %c0_i32_0 : i32, i32, i32
  }
  func.func @transform_3(%arg0: i32) -> (i32, i32) {
    %c0_i32 = arith.constant 0 : i32
    %c0_i32_0 = arith.constant 0 : i32
    %c0_i32_1 = arith.constant 0 : i32
    return %c0_i32, %c0_i32_0 : i32, i32
  }
  func.func @transform_4(%arg0: i32) -> (i32, i32) {
    %c0_i32 = arith.constant 0 : i32
    %c0_i32_0 = arith.constant 0 : i32
    %c0_i32_1 = arith.constant 0 : i32
    return %c0_i32, %c0_i32_0 : i32, i32
  }
  func.func @transform_5(%arg0: i32) -> (i32, i32) {
    %c0_i32 = arith.constant 0 : i32
    %c0_i32_0 = arith.constant 0 : i32
    %c0_i32_1 = arith.constant 0 : i32
    return %c0_i32, %c0_i32_0 : i32, i32
  }
  func.func @transform_6(%arg0: i32) -> (i32, i32) {
    %c0_i32 = arith.constant 0 : i32
    %c0_i32_0 = arith.constant 0 : i32
    %c0_i32_1 = arith.constant 0 : i32
    return %c0_i32, %c0_i32_0 : i32, i32
  }
  func.func @transform_7(%arg0: i32) -> (i32, i32) {
    %c0_i32 = arith.constant 0 : i32
    %c0_i32_0 = arith.constant 0 : i32
    %c0_i32_1 = arith.constant 0 : i32
    return %c0_i32, %c0_i32_0 : i32, i32
  }
  func.func @transform_8(%arg0: i32) -> (i32, i32) {
    %c0_i32 = arith.constant 0 : i32
    %c0_i32_0 = arith.constant 0 : i32
    return %arg0, %c0_i32 : i32, i32
  }
}

module attributes {stable_mosaic.version = 14 : i64} {
  func.func @_readout_body(%arg0: i32, %arg1: memref<2000x128xf32, #tpu.memory_space<vmem>>, %arg2: memref<128x64xf32, #tpu.memory_space<vmem>>, %arg3: memref<1x64xf32, #tpu.memory_space<vmem>>, %arg4: memref<64x32xf32, #tpu.memory_space<vmem>>, %arg5: memref<1x32xf32, #tpu.memory_space<vmem>>, %arg6: memref<32x10xf32, #tpu.memory_space<vmem>>, %arg7: memref<1x10xf32, #tpu.memory_space<vmem>>, %arg8: memref<1x10xf32, #tpu.memory_space<vmem>>, %arg9: memref<1x128xf32, #tpu.memory_space<vmem>>) attributes {dimension_semantics = [#tpu.dimension_semantics<arbitrary>], iteration_bounds = array<i64: 5>, scalar_prefetch = 0 : i64, scratch_operands = 1 : i64, tpu.core_type = #tpu.core_type<tc>, window_params = [{transform_indices = @transform_0, window_bounds = array<i64: 2000, 128>}, {pipeline_mode = #tpu.pipeline_mode<synchronous>, transform_indices = @transform_1, window_bounds = array<i64: 128, 64>}, {pipeline_mode = #tpu.pipeline_mode<synchronous>, transform_indices = @transform_2, window_bounds = array<i64: 1, 64>}, {pipeline_mode = #tpu.pipeline_mode<synchronous>, transform_indices = @transform_3, window_bounds = array<i64: 64, 32>}, {pipeline_mode = #tpu.pipeline_mode<synchronous>, transform_indices = @transform_4, window_bounds = array<i64: 1, 32>}, {pipeline_mode = #tpu.pipeline_mode<synchronous>, transform_indices = @transform_5, window_bounds = array<i64: 32, 10>}, {pipeline_mode = #tpu.pipeline_mode<synchronous>, transform_indices = @transform_6, window_bounds = array<i64: 1, 10>}, {pipeline_mode = #tpu.pipeline_mode<synchronous>, transform_indices = @transform_7, window_bounds = array<i64: 1, 10>}]} {
    %eq3A = arith.constant 0 : i32
    %eq3A_0 = arith.cmpi eq, %arg0, %eq3A : i32
    %convert_element_type3A = arith.extui %eq3A_0 : i1 to i32
    %cond3A = arith.constant 0 : i32
    %cond3A_1 = arith.cmpi ne, %convert_element_type3A, %cond3A : i32
    scf.if %cond3A_1 {
      %broadcast_in_dim3A_15 = arith.constant 0.000000e+00 : f32
      %broadcast_in_dim3A_16 = vector.broadcast %broadcast_in_dim3A_15 : f32 to vector<1x128xf32>
      %swap3A_17 = arith.constant 0 : index
      %swap3A_18 = arith.constant 0 : index
      %swap3A_19 = vector.load %arg9[%swap3A_17, %swap3A_18] : memref<1x128xf32, #tpu.memory_space<vmem>>, vector<1x128xf32>
      tpu.vector_store %arg9[%swap3A_17, %swap3A_18], %broadcast_in_dim3A_16 {strides = array<i32>} : memref<1x128xf32, #tpu.memory_space<vmem>>, vector<1x128xf32>,
    } else {
    }
    %get3A = arith.constant 0 : index
    %get3A_2 = arith.constant 0 : index
    %get3A_3 = vector.load %arg9[%get3A, %get3A_2] : memref<1x128xf32, #tpu.memory_space<vmem>>, vector<1x128xf32>
    %get3A_4 = arith.constant 0 : index
    %get3A_5 = arith.constant 0 : index
    %get3A_6 = vector.load %arg1[%get3A_4, %get3A_5] : memref<2000x128xf32, #tpu.memory_space<vmem>>, vector<2000x128xf32>
    %reduce_sum3A = arith.constant dense<0.000000e+00> : vector<128xf32>
    %reduce_sum3A_7 = vector.multi_reduction <add>, %get3A_6, %reduce_sum3A [0] : vector<2000x128xf32> to vector<128xf32>
    %broadcast_in_dim3A = vector.shape_cast %reduce_sum3A_7 : vector<128xf32> to vector<1x128xf32>
    %add3A = arith.addf %get3A_3, %broadcast_in_dim3A : vector<1x128xf32>
    %swap3A = arith.constant 0 : index
    %swap3A_8 = arith.constant 0 : index
    %swap3A_9 = vector.load %arg9[%swap3A, %swap3A_8] : memref<1x128xf32, #tpu.memory_space<vmem>>, vector<1x128xf32>
    tpu.vector_store %arg9[%swap3A, %swap3A_8], %add3A {strides = array<i32>} : memref<1x128xf32, #tpu.memory_space<vmem>>, vector<1x128xf32>,
    %eq3A_10 = arith.constant 4 : i32
    %eq3A_11 = arith.cmpi eq, %arg0, %eq3A_10 : i32
    %convert_element_type3A_12 = arith.extui %eq3A_11 : i1 to i32
    %cond3A_13 = arith.constant 0 : i32
    %cond3A_14 = arith.cmpi ne, %convert_element_type3A_12, %cond3A_13 : i32
    scf.if %cond3A_14 {
      %get3A_15 = arith.constant 0 : index
      %get3A_16 = arith.constant 0 : index
      %get3A_17 = vector.load %arg9[%get3A_15, %get3A_16] : memref<1x128xf32, #tpu.memory_space<vmem>>, vector<1x128xf32>
      %mul3A = arith.constant 9.99999974E-5 : f32
      %mul3A_18 = vector.broadcast %mul3A : f32 to vector<1x128xf32>
      %mul3A_19 = arith.mulf %get3A_17, %mul3A_18 : vector<1x128xf32>
      %get3A_20 = arith.constant 0 : index
      %get3A_21 = arith.constant 0 : index
      %get3A_22 = vector.load %arg2[%get3A_20, %get3A_21] : memref<128x64xf32, #tpu.memory_space<vmem>>, vector<128x64xf32>
      %dot_general3A = arith.constant dense<0.000000e+00> : vector<1x64xf32>
      %dot_general3A_23 = tpu.matmul %mul3A_19, %get3A_22, %dot_general3A {dimension_numbers = #tpu.dot_dimension_numbers<[1], [0], [0], [1], [0, 0, 1, 1], [], []>, transpose_lhs_hint = false} : vector<1x128xf32>, vector<128x64xf32>, vector<1x64xf32> -> vector<1x64xf32>
      %get3A_24 = arith.constant 0 : index
      %get3A_25 = arith.constant 0 : index
      %get3A_26 = vector.load %arg3[%get3A_24, %get3A_25] : memref<1x64xf32, #tpu.memory_space<vmem>>, vector<1x64xf32>
      %add3A_27 = arith.addf %dot_general3A_23, %get3A_26 : vector<1x64xf32>
      %max3A = arith.constant 0.000000e+00 : f32
      %max3A_28 = vector.broadcast %max3A : f32 to vector<1x64xf32>
      %max3A_29 = arith.maximumf %add3A_27, %max3A_28 : vector<1x64xf32>
      %get3A_30 = arith.constant 0 : index
      %get3A_31 = arith.constant 0 : index
      %get3A_32 = vector.load %arg4[%get3A_30, %get3A_31] : memref<64x32xf32, #tpu.memory_space<vmem>>, vector<64x32xf32>
      %dot_general3A_33 = arith.constant dense<0.000000e+00> : vector<1x32xf32>
      %dot_general3A_34 = tpu.matmul %max3A_29, %get3A_32, %dot_general3A_33 {dimension_numbers = #tpu.dot_dimension_numbers<[1], [0], [0], [1], [0, 0, 1, 1], [], []>, transpose_lhs_hint = false} : vector<1x64xf32>, vector<64x32xf32>, vector<1x32xf32> -> vector<1x32xf32>
      %get3A_35 = arith.constant 0 : index
      %get3A_36 = arith.constant 0 : index
      %get3A_37 = vector.load %arg5[%get3A_35, %get3A_36] : memref<1x32xf32, #tpu.memory_space<vmem>>, vector<1x32xf32>
      %add3A_38 = arith.addf %dot_general3A_34, %get3A_37 : vector<1x32xf32>
      %max3A_39 = arith.constant 0.000000e+00 : f32
      %max3A_40 = vector.broadcast %max3A_39 : f32 to vector<1x32xf32>
      %max3A_41 = arith.maximumf %add3A_38, %max3A_40 : vector<1x32xf32>
      %get3A_42 = arith.constant 0 : index
      %get3A_43 = arith.constant 0 : index
      %get3A_44 = vector.load %arg6[%get3A_42, %get3A_43] : memref<32x10xf32, #tpu.memory_space<vmem>>, vector<32x10xf32>
      %dot_general3A_45 = arith.constant dense<0.000000e+00> : vector<1x10xf32>
      %dot_general3A_46 = tpu.matmul %max3A_41, %get3A_44, %dot_general3A_45 {dimension_numbers = #tpu.dot_dimension_numbers<[1], [0], [0], [1], [0, 0, 1, 1], [], []>, transpose_lhs_hint = false} : vector<1x32xf32>, vector<32x10xf32>, vector<1x10xf32> -> vector<1x10xf32>
      %get3A_47 = arith.constant 0 : index
      %get3A_48 = arith.constant 0 : index
      %get3A_49 = vector.load %arg7[%get3A_47, %get3A_48] : memref<1x10xf32, #tpu.memory_space<vmem>>, vector<1x10xf32>
      %add3A_50 = arith.addf %dot_general3A_46, %get3A_49 : vector<1x10xf32>
      %swap3A_51 = arith.constant 0 : index
      %swap3A_52 = arith.constant 0 : index
      %swap3A_53 = vector.load %arg8[%swap3A_51, %swap3A_52] : memref<1x10xf32, #tpu.memory_space<vmem>>, vector<1x10xf32>
      tpu.vector_store %arg8[%swap3A_51, %swap3A_52], %add3A_50 {strides = array<i32>} : memref<1x10xf32, #tpu.memory_space<vmem>>, vector<1x10xf32>,
    } else {
    }
    return
  }
  func.func @transform_0(%arg0: i32) -> (i32, i32) {
    %c0_i32 = arith.constant 0 : i32
    %c0_i32_0 = arith.constant 0 : i32
    return %arg0, %c0_i32 : i32, i32
  }
  func.func @transform_1(%arg0: i32) -> (i32, i32) {
    %c0_i32 = arith.constant 0 : i32
    %c0_i32_0 = arith.constant 0 : i32
    %c0_i32_1 = arith.constant 0 : i32
    return %c0_i32, %c0_i32_0 : i32, i32
  }
  func.func @transform_2(%arg0: i32) -> (i32, i32) {
    %c0_i32 = arith.constant 0 : i32
    %c0_i32_0 = arith.constant 0 : i32
    %c0_i32_1 = arith.constant 0 : i32
    return %c0_i32, %c0_i32_0 : i32, i32
  }
  func.func @transform_3(%arg0: i32) -> (i32, i32) {
    %c0_i32 = arith.constant 0 : i32
    %c0_i32_0 = arith.constant 0 : i32
    %c0_i32_1 = arith.constant 0 : i32
    return %c0_i32, %c0_i32_0 : i32, i32
  }
  func.func @transform_4(%arg0: i32) -> (i32, i32) {
    %c0_i32 = arith.constant 0 : i32
    %c0_i32_0 = arith.constant 0 : i32
    %c0_i32_1 = arith.constant 0 : i32
    return %c0_i32, %c0_i32_0 : i32, i32
  }
  func.func @transform_5(%arg0: i32) -> (i32, i32) {
    %c0_i32 = arith.constant 0 : i32
    %c0_i32_0 = arith.constant 0 : i32
    %c0_i32_1 = arith.constant 0 : i32
    return %c0_i32, %c0_i32_0 : i32, i32
  }
  func.func @transform_6(%arg0: i32) -> (i32, i32) {
    %c0_i32 = arith.constant 0 : i32
    %c0_i32_0 = arith.constant 0 : i32
    %c0_i32_1 = arith.constant 0 : i32
    return %c0_i32, %c0_i32_0 : i32, i32
  }
  func.func @transform_7(%arg0: i32) -> (i32, i32) {
    %c0_i32 = arith.constant 0 : i32
    %c0_i32_0 = arith.constant 0 : i32
    %c0_i32_1 = arith.constant 0 : i32
    return %c0_i32, %c0_i32_0 : i32, i32
  }
}

</mosaic_0001>

<sc_bundles>
// kernel: kernel.11.cloned.1.call-start
scs
__scs_entry_jumppad:
0x0: {  	(pc) =	sbr.rel $0x88, $3  }
0x1: {  	(tag) =	ssettag $0x0;
	lr =	simm.s32 $0x1  }
0x2: {  	[smem:$0x3F93] =	sst lr;
	_ =	strace $0xD0000000  }
0x3: {  	_ = 	snop  }
0x4: {  	_ = 	snop  }
0x5: {  	_ = 	snop  }
0x6: {  	_ = 	snop  }
0x7: {  	_ = 	snop  }
__scs_overlays_trampoline_lowered:
0x8: {  	[smem:$0x3FA2] =	sst s0  }
0x9: {  	[smem:$0x3FA3] =	sst s1  }
0xa: {  	[smem:$0x3FA4] =	sst s2  }
0xb: {  	[smem:$0x3FA5] =	sst s3  }
0xc: {  	[smem:$0x3FA6] =	sst s4  }
0xd: {  	[smem:$0x3FA7] =	sst s5  }
0xe: {  	[smem:$0x3FA8] =	sst s6  }
0xf: {  	[smem:$0x3FA9] =	sst s7  }
0x10: {  	[smem:$0x3FAA] =	sst s8  }
0x11: {  	[smem:$0x3FAB] =	sst s9;
	s0 =	simm.s32 @!p0 $0x0  }
0x12: {  	s1 =	sld [smem:$0x3F91];
	s0 =	simm.s32 @p0 $0x1  }
0x13: {  	[smem:$0x3FAC] =	sst s0;
	s0 =	simm.s32 @!p1 $0x0  }
0x14: {  	s2 =	sld [smem:$0x3F90];
	s0 =	simm.s32 @p1 $0x1  }
0x15: {  	[smem:$0x3FAD] =	sst s0;
	s0 =	simm.s32 @!p2 $0x0  }
0x16: {  	s3 =	sld [smem:$0x3FDB];
	s0 =	simm.s32 @p2 $0x1  }
0x17: {  	s4 =	simm.s32 $0x1BF5;
	[smem:$0x3FAF] =	sst s0  }
0x18: {  	s0 =	sld [smem:$0x3F92];
	_ =	swait.ge [sflag:s4], $0x0  }
0x19: {  	s7 =	sld [smem:$0x3F93]  }
0x1a: {  	s8 =	sadd.s32 $0xFFFFE003, lr  }
0x1b: {  	s9 =	sadd.s32 $0xFFFFFEF7, lr;
	s5 =	simm.s32 $0xFFFFFFFF;
	p2 =	slt.u32 s8, $0xFFFFF086  }
0x1c: {  	p1 =	slt.u32 s9, $0xF7A;
	s5 =	simm.s32 @!p2 $0x0  }
0x1d: {  	s5 =	simm.s32 @p1 $0x1;
	p0 =	seq.s32 s7, s2  }
0x1e: {  	s7 =	smul.u32 @!p0 $0xF7A, s2;
	p2 =	seq.s32 @!p0 s5, $0x0  }
0x1f: {  	s9 =	smul.u32 $0xF7A, s1;
	s8 =	simm.s32 @!p0 $0x1BF5;
	p2 =	por !p2, p0  }
0x20: {  	[sflag:s8] =	ssyncset.s32 @!p0 $0xFFFFF086;
	s6 =	sadd.s32 @!p0 s3, s7;
	s7 =	simm.s32 @!p0 $0x108  }
0x21: {  	s3 =	sadd.s32 s3, s9;
	s6 =	sadd.s32 @!p0 $0x88, s6;
	s7 =	simm.s32 @p2 $0x1082  }
0x22: {  	[simem:s7], [sflag:s8] =	dma.local @!p0 [hbm:s6], $0xF7A  }
0x23: {  	s9 =	sor.u32 $0xD0000000, s2;
	s6 =	simm.s32 $0x108;
	_ =	swait.ge @!p0 [sflag:s8], $0x0  }
0x24: {  	s3 =	sadd.s32 $0x88, s3;
	s6 =	simm.s32 @!p1 $0x1082;
	[sflag:s4] =	ssyncset.s32 $0xFFFFF086  }
0x25: {  	[simem:s6], [sflag:s4] =	dma.local [hbm:s3], $0xF7A  }
0x26: {  	[smem:$0x3F93] =	sst s1;
	(tag) =	ssettag s2;
	_ =	strace s9  }
0x27: {  	s1 =	sld [smem:$0x3FA3]  }
0x28: {  	s2 =	sld [smem:$0x3FA4]  }
0x29: {  	s4 =	sld [smem:$0x3FA6]  }
0x2a: {  	p0 =	seq.s32 s5, $0x0;
	s5 =	sld [smem:$0x3FA7]  }
0x2b: {  	s6 =	sld [smem:$0x3FA8]  }
0x2c: {  	s7 =	sld [smem:$0x3FA9]  }
0x2d: {  	s3 =	simm.s32 $0x108;
	s8 =	sld [smem:$0x3FAA]  }
0x2e: {  	s3 =	simm.s32 @!p0 $0x1082;
	s9 =	sld [smem:$0x3FAB]  }
0x2f: {  	lr =	sadd.s32 s0, s3;
	s0 =	sld [smem:$0x3FA2]  }
0x30: {  	s3 =	sld [smem:$0x3FA5]  }
0x31: {  	[smem:$0x3FAE] =	sst s10  }
0x32: {  	s10 =	sld [smem:$0x3FAC];
	_ =	sdelay $0x3  }
0x33: {  	p0 =	seq.s32 s10, $0x1;
	s10 =	sld [smem:$0x3FAE];
	_ =	sdelay $0x3  }
0x34: {  	[smem:$0x3FAE] =	sst s10  }
0x35: {  	s10 =	sld [smem:$0x3FAD];
	_ =	sdelay $0x3  }
0x36: {  	p1 =	seq.s32 s10, $0x1;
	s10 =	sld [smem:$0x3FAE];
	_ =	sdelay $0x3  }
0x37: {  	[smem:$0x3FAE] =	sst s10  }
0x38: {  	s10 =	sld [smem:$0x3FAF]  }
0x39: {  	_ = 	snop;
	(pc) =	sbr.ind lr, $3  }
0x3a: {  	_ = 	snop  }
0x3b: {  	_ = 	snop  }
0x3c: {  	p2 =	seq.s32 s10, $0x1;
	s10 =	sld [smem:$0x3FAE]  }
0x3d: {  	_ =	shalt  }
0x3e: {  	_ =	shalt  }
0x3f: {  	_ =	shalt  }
0x40: {  	_ =	shalt  }
0x41: {  	_ =	shalt  }
0x42: {  	_ =	shalt  }
0x43: {  	_ =	shalt  }
0x44: {  	_ =	shalt  }
0x45: {  	_ =	shalt  }
0x46: {  	_ =	shalt  }
0x47: {  	_ =	shalt  }
0x48: {  	_ =	shalt  }
0x49: {  	_ =	shalt  }
0x4a: {  	_ =	shalt  }
0x4b: {  	_ =	shalt  }
0x4c: {  	_ =	shalt  }
0x4d: {  	_ =	shalt  }
0x4e: {  	_ =	shalt  }
0x4f: {  	_ =	shalt  }
0x50: {  	_ =	shalt  }
0x51: {  	_ =	shalt  }
0x52: {  	_ =	shalt  }
0x53: {  	_ =	shalt  }
0x54: {  	_ =	shalt  }
0x55: {  	_ =	shalt  }
0x56: {  	_ =	shalt  }
0x57: {  	_ =	shalt  }
0x58: {  	_ =	shalt  }
0x59: {  	_ =	shalt  }
0x5a: {  	_ =	shalt  }
0x5b: {  	_ =	shalt  }
0x5c: {  	_ =	shalt  }
0x5d: {  	_ =	shalt  }
0x5e: {  	_ =	shalt  }
0x5f: {  	_ =	shalt  }
0x60: {  	_ =	shalt  }
0x61: {  	_ =	shalt  }
0x62: {  	_ =	shalt  }
0x63: {  	_ =	shalt  }
0x64: {  	_ =	shalt  }
0x65: {  	_ =	shalt  }
0x66: {  	_ =	shalt  }
0x67: {  	_ =	shalt  }
0x68: {  	_ =	shalt  }
0x69: {  	_ =	shalt  }
0x6a: {  	_ =	shalt  }
0x6b: {  	_ =	shalt  }
0x6c: {  	_ =	shalt  }
0x6d: {  	_ =	shalt  }
0x6e: {  	_ =	shalt  }
0x6f: {  	_ =	shalt  }
0x70: {  	_ =	shalt  }
0x71: {  	_ =	shalt  }
0x72: {  	_ =	shalt  }
0x73: {  	_ =	shalt  }
0x74: {  	_ =	shalt  }
0x75: {  	_ =	shalt  }
0x76: {  	_ =	shalt  }
0x77: {  	_ =	shalt  }
0x78: {  	_ =	shalt  }
0x79: {  	_ =	shalt  }
0x7a: {  	_ =	shalt  }
0x7b: {  	_ =	shalt  }
0x7c: {  	_ =	shalt  }
0x7d: {  	_ =	shalt  }
0x7e: {  	_ =	shalt  }
0x7f: {  	_ =	shalt  }
0x80: {  	_ =	shalt  }
0x81: {  	_ =	shalt  }
0x82: {  	_ =	shalt  }
0x83: {  	_ =	shalt  }
0x84: {  	_ =	shalt  }
0x85: {  	_ =	shalt  }
0x86: {  	_ =	shalt  }
0x87: {  	_ =	shalt  }
.Lfunc_end0:
.L_simem_size_0:
called_computation_lowered:
.L_overlay_start_0:
0x88: {  	s2 =	sld [smem:$0x3FD9]  }
0x89: {  	s3 =	sld [smem:$0x3FFE];
	_ =	sdelay $0x1  }
0x8a: {  	s1 =	srdreg.scid  }
0x8b: {  	s0 =	sand.u32 $0x1, s1  }
0x8c: {  	s17 =	sshll.u32 s0, $0xA;
	s2 =	sadd.s32 s3, s2  }
0x8d: {  	s2 =	sadd.s32 s2, s17  }
0x8e: {  	[smem:$0x3FBA] =	sst s2  }
0x8f: {  	_ = 	snop  }
0x90: {  	(tm) =	ssettm $0x1  }
0x91: {  	s18 =	sld [smem:$0x3FFB];
	_ =	sdelay $0x3  }
0x92: {  	_ =	strace s18  }
0x93: {  	s2 =	sld [smem:$0x3FFC];
	_ =	sdelay $0x3  }
0x94: {  	_ =	strace s2  }
0x95: {  	s2 =	sld [smem:$0x3FFD];
	_ =	sdelay $0x3  }
0x96: {  	_ =	strace s2  }
0x97: {  	_ =	strace $0x8FFFFFFF  }
0x98: {  	s19 =	sld [smem:$0x3FDB];
	_ =	sdelay $0x1  }
0x99: {  	s20 =	simm.s32 $_scs_section_size  }
0x9a: {  	s4 =	simm.s32 $_size__tile_overlayer_lowered;
	s5 =	simm.s32 $_tile_overlayer_lowered  }
0x9b: {  	s6 =	simm.s32 $0x1BFF;
	s21 =	sshll.u32 s5, $0x1;
	s3 =	sadd.s32 s20, s19  }
0x9c: {  	s22 =	simm.s32 $0x0;
	s4 =	sshll.u32 s4, $0x1;
	s5 =	sadd.s32 s21, s3  }
0x9d: {  	[timem:s22], [sflag:s6] =	dma.local [hbm:s5], s4  }
0x9e: {  	_ =	swait.ge [sflag:s6], s4  }
0x9f: {  	s4 =	ssub.s32 $0x0, s4;
	[sflag:s6] =	ssyncset.done $0x0  }
0xa0: {  	[sflag:s6] =	ssyncadd.s32 s4;
	_ =	sdelay $0x1  }
0xa1: {  	s23 =	simm.s32 $0x1B8B  }
0xa2: {  	_ =	swait.ge [sflag:s23], $0x1  }
0xa3: {  	[sflag:s23] =	ssyncset.done $0x0  }
0xa4: {  	[sflag:s23] =	ssyncadd.s32 $0xFFFFFFFF  }
0xa5: {  	s4 =	sld [smem:$0x0]  }
0xa6: {  	s5 =	sand.u32 $0xFFFFFFFE, s1  }
0xa7: {  	p0 =	sne.s32 s1, s5  }
0xa8: {  	s5 =	sshll.u32 @p0 s5, $0xE  }
0xa9: {  	s5 =	sadd.s32 @p0 $0x11B8D, s5;
	s6 =	sshll.u32 @p0 s4, $0x11  }
0xaa: {  	s5 =	sor.u32 @p0 s6, s5  }
0xab: {  	[sflag:s5] =	ssyncadd.remote.s32 @p0 $0x1;
	_ =	sdelay $0x1  }
0xac: {  	s5 =	simm.s32 @p0 $0x1B8D  }
0xad: {  	_ =	swait.eq @p0 [sflag:s5], $0x1  }
0xae: {  	[sflag:s5] =	ssyncadd.s32 @p0 $0xFFFFFFFF  }
0xaf: {  	s6 =	sshll.u32 @!p0 s1, $0xE  }
0xb0: {  	s6 =	sor.u32 @!p0 $0x4000, s6;
	s5 =	simm.s32 @!p0 $0x1B8D  }
0xb1: {  	s4 =	sshll.u32 @!p0 s4, $0x11;
	s6 =	sadd.s32 @!p0 $0x11B8D, s6;
	_ =	swait.eq @!p0 [sflag:s5], $0x1  }
0xb2: {  	s4 =	sor.u32 @!p0 s4, s6;
	[sflag:s5] =	ssyncadd.s32 @!p0 $0xFFFFFFFF  }
0xb3: {  	s25 =	simm.s32 $0x1B8E;
	s24 =	sld [smem:$0x3FFE];
	[sflag:s4] =	ssyncadd.remote.s32 @!p0 $0x1  }
0xb4: {  	s26 =	simm.s32 $execute0_lowered;
	[smem:$0x3FD2] =	sst s25  }
0xb5: {  	s5 =	sshll.u32 s26, $0x1;
	_ =	strace $0x80000049;
	[dreg:$0x1] =	wrdreg $0xFFFFFFFF  }
0xb6: {  	s28 =	simm.s32 $_size_execute0_lowered;
	s3 =	sadd.s32 s3, s5;
	[dreg:$0x0] =	wrdreg $0x0  }
0xb7: {  	s5 =	sshll.u32 s28, $0x1;
	[dreg:$0x2] =	wrdreg s3  }
0xb8: {  	[dreg:$0x3] =	wrdreg s5  }
0xb9: {  	[dreg:$0x4] =	wrdreg $0xC0  }
0xba: {  	_ =	task [dreg:s22], $0x5FFFF  }
0xbb: {  	[dreg:$0x1] =	wrdreg $0xFFFFFFFF  }
0xbc: {  	[dreg:$0x0] =	wrdreg $0x60  }
0xbd: {  	[dreg:$0x2] =	wrdreg s24  }
0xbe: {  	[dreg:$0x3] =	wrdreg $0x0  }
0xbf: {  	[dreg:$0x4] =	wrdreg $0x9  }
0xc0: {  	_ =	task.clear_ibuf [dreg:s22], $0x5FFFF;
	_ =	strace $0x90000049  }
0xc1: {  	s29 =	simm.s32 $0x9;
	_ =	strace $0x8000004B  }
0xc2: {  	_ =	swait.ge [sflag:s29], $0x1  }
0xc3: {  	[sflag:s29] =	ssyncadd.s32 $0xFFFFFFFF  }
0xc4: {  	_ =	strace $0x9000004B  }
0xc5: {  	_ =	sfence  }
0xc6: {  	s30 =	sld [smem:$0x0];
	_ =	sdelay $0x2  }
0xc7: {  	s31 =	sshll.u32 s1, $0xD;
	s1 =	sshrl.u32 s1, $0x2  }
0xc8: {  	s4 =	sand.u32 $0x4000, s31;
	s1 =	sadd.s32 s1, s30  }
0xc9: {  	s0 =	sor.u32 s4, s0;
	s1 =	sshll.u32 s1, $0x11  }
0xca: {  	s0 =	sor.u32 s1, s0  }
0xcb: {  	s0 =	sadd.s32 $0x8F2B, s0  }
0xcc: {  	[sflag:s0] =	ssyncadd.remote.s32 $0x1  }
0xcd: {  	_ =	sfence.sel $0xFFFF  }
0xce: {  	[dreg:$0x0] =	wrdreg $0xFFFFFFFF;
	(pc) =	sbr.abs _section_cstart, $3  }
0xcf: {  	[dreg:$0x1] =	wrdreg $0xFFFFFFFF  }
0xd0: {  	_ =	task.clear_ibuf [dreg:s22], $0x2FFFF;
	_ =	strace $0x9FFFFFFF  }
0xd1: {  	(tm) =	ssettm $0x7FFFFFFF  }
tec
execute0_lowered:
.L_overlay_start_1:
0x0: {  	(tag) =	ssettag $0x1  }
0x1: {  	s7 =	rddreg [dreg:$0x0]  }
0x2: {  	s0 =	srdreg.scid;
	s2 =	rddreg [dreg:$0x1];
	s3 =	simm.s32 $0x0  }
0x3: {  	s13 =	simm.s32 $0x16800;
	s14 =	simm.s32 $0x80;
	s6 =	sand.u32 $0x1, s0  }
0x4: {  	s15 =	simm.s32 $0x0;
	s0 =	stileid.u32;
	s5 =	smul.u32 $0x140000, s6  }
0x5: {  	[smem:$0x7FF] =	sst s3;
	s1 =	sshll.u32 s6, $0x4;
	s8 =	smul.u32 $0x14000, s0  }
0x6: {  	s10 =	smul.u32 $0x50000, s0;
	s6 =	ssub.s32 $0x2, s6;
	s1 =	sor.u32 s0, s1  }
0x7: {  	s11 =	sshll.u32 s0, $0x6;
	s31 =	sshrl.u32 s6, $0x1;
	s4 =	smul.u32 $0x500, s1  }
0x8: {  	s1 =	rddreg [dreg:$0x2];
	_ =	strace $0x8000004A;
	s5 =	sadd.s32 s8, s5  }
0x9: {  	s10 =	sshrl.u32 s10, $0x2;
	s12 =	ssub.s32 s6, s31;
	s6 =	sor.u32 $0x1C01, s11  }
0xa: {  	s11 =	simm.s32 $0x1;
	s8 =	sshrl.u32 s5, $0x3;
	s5 =	sadd.s32 $0xA2600, s7  }
0xb: {  	s10 =	sadd.s32 s10, s2;
	s9 =	sadd.s32 s4, s7;
	s4 =	sadd.s32 $0x45E00, s7  }
0xc: {  	s8 =	sadd.s32 s8, s7;
	s10 =	sshrl.u32 s10, $0x3;
	s7 =	sadd.s32 $0x98600, s9  }
0xd: {  	s8 =	sadd.s32 $0xA2E00, s8;
	s9 =	smax.u32 s12, $0x1;
	s12 =	simm.s32 $0x14000  }
.LBB2_1:
0xe: {  	[spmem:s10], [sflag:s6] =	dma.local [hbm:s4], $0x2800  }
0xf: {  	_ =	swait.ge [sflag:s11], $0x2800  }
0x10: {  	[sflag:s11] =	ssyncset.done $0x0  }
0x11: {  	[sflag:s11] =	ssyncadd.s32 $0xFFFFD800  }
0x12: {  	[tilespmem:s12], [sflag:$0x1] =	stream.linear.gather [hbm4b:s7+s3], $0x2780, $0x38;
	[tilespmem:$0x1A800] =	vst v63  }
0x13: {  	_ =	swait.ge [sflag:s11], $0x2780  }
0x14: {  	[sflag:s11] =	ssyncset.done $0x0  }
0x15: {  	[sflag:s11] =	ssyncadd.s32 $0xFFFFD880  }
0x16: {  	[tilespmem:s13], [sflag:$0x1] =	stream.linear.gather [hbm4b:s5+s3], $0x4000, $0x38;
	[tilespmem:$0x1A800] =	vst v63  }
0x17: {  	_ =	swait.ge [sflag:s11], $0x4000  }
0x18: {  	[sflag:s11] =	ssyncset.done $0x0  }
0x19: {  	[sflag:s11] =	ssyncadd.s32 $0xFFFFC000  }
0x1a: {  	s16 =	simm.s32 $0x14000;
	[bflag:$0x0] =	sbarrier.arrive $0xFFFF  }
0x1b: {  	[spmem:s2] =	stream.indirect.scatter.add.f32 [tilespmem:s13], [sflag:$0x1], $0x80, s16, s14, $0xb8;
	[tilespmem:$0x1A800] =	vst v63  }
0x1c: {  	s16 =	simm.s32 $0x200;
	_ =	swait.ge [sflag:s11], $0x4000  }
.LBB2_2:
0x1d: {  	s17 =	sshra.s32 s16, $0x2;
	[sflag:s11] =	ssyncset.done $0x0;
	p0 =	sne.s32 s16, $0x9C00  }
.Ltmp0:
0x1e: {  	s17 =	sadd.s32 $0x14000, s17;
	[sflag:s11] =	ssyncadd.s32 $0xFFFFC000;
	(pc) =	sbr.rel @p0 .LBB2_2-.Ltmp0, $3  }
0x1f: {  	[spmem:s2] =	stream.indirect.scatter.add.f32 [tilespmem:s13], [sflag:$0x1], $0x80, s17, s14, $0xb8;
	[tilespmem:$0x1A800] =	vst v63  }
0x20: {  	s16 =	sadd.s32 $0x200, s16;
	_ =	sdelay $0x1  }
0x21: {  	_ =	swait.ge [sflag:s11], $0x4000  }
0x22: {  	[sflag:s11] =	ssyncset.done $0x0;
	s15 =	sadd.s32 $0x1, s15  }
0x23: {  	[sflag:s11] =	ssyncadd.s32 $0xFFFFC000;
	p0 =	sne.s32 s15, s9  }
.Ltmp1:
0x24: {  	[bflag:$0x0] =	sbarrier.arrive $0xFFFF;
	(pc) =	sbr.rel @p0 .LBB2_1-.Ltmp1, $4  }
0x25: {  	[hbm:s8], [sflag:s6] =	dma.local [spmem:s10], $0x2800  }
0x26: {  	_ =	swait.ge [sflag:s11], $0x2800  }
0x27: {  	[sflag:s11] =	ssyncset.done $0x0  }
0x28: {  	[sflag:s11] =	ssyncadd.s32 $0xFFFFD800  }
0x29: {  	_ =	sfence.sel $0x180000  }
0x2a: {  	[bflag:$0x0] =	sbarrier.arrive $0xFFFF  }
0x2b: {  	p0 =	sne.s32 s0, $0x0;
	_ =	strace $0x9000004A  }
0x2c: {  	s0 =	sadd.s32 @!p0 $0x100000, s1;
	[bflag:$0x2] =	sbarrier.arrive $0xFFFF  }
0x2d: {  	[sflag:s0] =	ssyncadd.tile.s32 @!p0 $0x1;
	_ =	shalt  }
.Lfunc_end2:
_tile_overlayer_lowered:
.L_overlay_start_2:
0x2e: {  	(tag) =	ssettag $0x2  }
0x2f: {  	s0 =	rddreg [dreg:$0x0];
	s2 =	stileid.u32  }
0x30: {  	s1 =	rddreg [dreg:$0x1];
	p0 =	sne.s32 s2, $0x0  }
0x31: {  	s3 =	rddreg [dreg:$0x2];
	[bflag:$0x3] =	sbarrier.arrive $0xFFFF;
	s2 =	simm.s32 @!p0 $0x1C01  }
0x32: {  	[timem:s3], [sflag:s2] =	dma.local @!p0 [hbm:s0], s1  }
0x33: {  	s0 =	simm.s32 @!p0 $0x1  }
0x34: {  	_ =	swait.ge @!p0 [sflag:s0], s1  }
0x35: {  	s1 =	ssub.s32 @!p0 $0x0, s1;
	[sflag:s0] =	ssyncset.done @!p0 $0x0  }
0x36: {  	[sflag:s0] =	ssyncadd.s32 @!p0 s1  }
0x37: {  	[bflag:$0x3] =	sbarrier.arrive $0xFFFF  }
0x38: {  	_ =	shalt  }

// kernel: kernel.14.cloned.1.call-start
scs
__scs_entry_jumppad:
0x0: {  	(pc) =	sbr.rel $0x88, $3  }
0x1: {  	(tag) =	ssettag $0x0;
	lr =	simm.s32 $0x1  }
0x2: {  	[smem:$0x3F93] =	sst lr;
	_ =	strace $0xD0000000  }
0x3: {  	_ = 	snop  }
0x4: {  	_ = 	snop  }
0x5: {  	_ = 	snop  }
0x6: {  	_ = 	snop  }
0x7: {  	_ = 	snop  }
__scs_overlays_trampoline_lowered:
0x8: {  	[smem:$0x3FA2] =	sst s0  }
0x9: {  	[smem:$0x3FA3] =	sst s1  }
0xa: {  	[smem:$0x3FA4] =	sst s2  }
0xb: {  	[smem:$0x3FA5] =	sst s3  }
0xc: {  	[smem:$0x3FA6] =	sst s4  }
0xd: {  	[smem:$0x3FA7] =	sst s5  }
0xe: {  	[smem:$0x3FA8] =	sst s6  }
0xf: {  	[smem:$0x3FA9] =	sst s7  }
0x10: {  	[smem:$0x3FAA] =	sst s8  }
0x11: {  	[smem:$0x3FAB] =	sst s9;
	s0 =	simm.s32 @!p0 $0x0  }
0x12: {  	s1 =	sld [smem:$0x3F91];
	s0 =	simm.s32 @p0 $0x1  }
0x13: {  	[smem:$0x3FAC] =	sst s0;
	s0 =	simm.s32 @!p1 $0x0  }
0x14: {  	s2 =	sld [smem:$0x3F90];
	s0 =	simm.s32 @p1 $0x1  }
0x15: {  	[smem:$0x3FAD] =	sst s0;
	s0 =	simm.s32 @!p2 $0x0  }
0x16: {  	s3 =	sld [smem:$0x3FDB];
	s0 =	simm.s32 @p2 $0x1  }
0x17: {  	s4 =	simm.s32 $0x1BF5;
	[smem:$0x3FAF] =	sst s0  }
0x18: {  	s0 =	sld [smem:$0x3F92];
	_ =	swait.ge [sflag:s4], $0x0  }
0x19: {  	s7 =	sld [smem:$0x3F93]  }
0x1a: {  	s8 =	sadd.s32 $0xFFFFE003, lr  }
0x1b: {  	s9 =	sadd.s32 $0xFFFFFEF7, lr;
	s5 =	simm.s32 $0xFFFFFFFF;
	p2 =	slt.u32 s8, $0xFFFFF086  }
0x1c: {  	p1 =	slt.u32 s9, $0xF7A;
	s5 =	simm.s32 @!p2 $0x0  }
0x1d: {  	s5 =	simm.s32 @p1 $0x1;
	p0 =	seq.s32 s7, s2  }
0x1e: {  	s7 =	smul.u32 @!p0 $0xF7A, s2;
	p2 =	seq.s32 @!p0 s5, $0x0  }
0x1f: {  	s9 =	smul.u32 $0xF7A, s1;
	s8 =	simm.s32 @!p0 $0x1BF5;
	p2 =	por !p2, p0  }
0x20: {  	[sflag:s8] =	ssyncset.s32 @!p0 $0xFFFFF086;
	s6 =	sadd.s32 @!p0 s3, s7;
	s7 =	simm.s32 @!p0 $0x108  }
0x21: {  	s3 =	sadd.s32 s3, s9;
	s6 =	sadd.s32 @!p0 $0x88, s6;
	s7 =	simm.s32 @p2 $0x1082  }
0x22: {  	[simem:s7], [sflag:s8] =	dma.local @!p0 [hbm:s6], $0xF7A  }
0x23: {  	s9 =	sor.u32 $0xD0000000, s2;
	s6 =	simm.s32 $0x108;
	_ =	swait.ge @!p0 [sflag:s8], $0x0  }
0x24: {  	s3 =	sadd.s32 $0x88, s3;
	s6 =	simm.s32 @!p1 $0x1082;
	[sflag:s4] =	ssyncset.s32 $0xFFFFF086  }
0x25: {  	[simem:s6], [sflag:s4] =	dma.local [hbm:s3], $0xF7A  }
0x26: {  	[smem:$0x3F93] =	sst s1;
	(tag) =	ssettag s2;
	_ =	strace s9  }
0x27: {  	s1 =	sld [smem:$0x3FA3]  }
0x28: {  	s2 =	sld [smem:$0x3FA4]  }
0x29: {  	s4 =	sld [smem:$0x3FA6]  }
0x2a: {  	p0 =	seq.s32 s5, $0x0;
	s5 =	sld [smem:$0x3FA7]  }
0x2b: {  	s6 =	sld [smem:$0x3FA8]  }
0x2c: {  	s7 =	sld [smem:$0x3FA9]  }
0x2d: {  	s3 =	simm.s32 $0x108;
	s8 =	sld [smem:$0x3FAA]  }
0x2e: {  	s3 =	simm.s32 @!p0 $0x1082;
	s9 =	sld [smem:$0x3FAB]  }
0x2f: {  	lr =	sadd.s32 s0, s3;
	s0 =	sld [smem:$0x3FA2]  }
0x30: {  	s3 =	sld [smem:$0x3FA5]  }
0x31: {  	[smem:$0x3FAE] =	sst s10  }
0x32: {  	s10 =	sld [smem:$0x3FAC];
	_ =	sdelay $0x3  }
0x33: {  	p0 =	seq.s32 s10, $0x1;
	s10 =	sld [smem:$0x3FAE];
	_ =	sdelay $0x3  }
0x34: {  	[smem:$0x3FAE] =	sst s10  }
0x35: {  	s10 =	sld [smem:$0x3FAD];
	_ =	sdelay $0x3  }
0x36: {  	p1 =	seq.s32 s10, $0x1;
	s10 =	sld [smem:$0x3FAE];
	_ =	sdelay $0x3  }
0x37: {  	[smem:$0x3FAE] =	sst s10  }
0x38: {  	s10 =	sld [smem:$0x3FAF]  }
0x39: {  	_ = 	snop;
	(pc) =	sbr.ind lr, $3  }
0x3a: {  	_ = 	snop  }
0x3b: {  	_ = 	snop  }
0x3c: {  	p2 =	seq.s32 s10, $0x1;
	s10 =	sld [smem:$0x3FAE]  }
0x3d: {  	_ =	shalt  }
0x3e: {  	_ =	shalt  }
0x3f: {  	_ =	shalt  }
0x40: {  	_ =	shalt  }
0x41: {  	_ =	shalt  }
0x42: {  	_ =	shalt  }
0x43: {  	_ =	shalt  }
0x44: {  	_ =	shalt  }
0x45: {  	_ =	shalt  }
0x46: {  	_ =	shalt  }
0x47: {  	_ =	shalt  }
0x48: {  	_ =	shalt  }
0x49: {  	_ =	shalt  }
0x4a: {  	_ =	shalt  }
0x4b: {  	_ =	shalt  }
0x4c: {  	_ =	shalt  }
0x4d: {  	_ =	shalt  }
0x4e: {  	_ =	shalt  }
0x4f: {  	_ =	shalt  }
0x50: {  	_ =	shalt  }
0x51: {  	_ =	shalt  }
0x52: {  	_ =	shalt  }
0x53: {  	_ =	shalt  }
0x54: {  	_ =	shalt  }
0x55: {  	_ =	shalt  }
0x56: {  	_ =	shalt  }
0x57: {  	_ =	shalt  }
0x58: {  	_ =	shalt  }
0x59: {  	_ =	shalt  }
0x5a: {  	_ =	shalt  }
0x5b: {  	_ =	shalt  }
0x5c: {  	_ =	shalt  }
0x5d: {  	_ =	shalt  }
0x5e: {  	_ =	shalt  }
0x5f: {  	_ =	shalt  }
0x60: {  	_ =	shalt  }
0x61: {  	_ =	shalt  }
0x62: {  	_ =	shalt  }
0x63: {  	_ =	shalt  }
0x64: {  	_ =	shalt  }
0x65: {  	_ =	shalt  }
0x66: {  	_ =	shalt  }
0x67: {  	_ =	shalt  }
0x68: {  	_ =	shalt  }
0x69: {  	_ =	shalt  }
0x6a: {  	_ =	shalt  }
0x6b: {  	_ =	shalt  }
0x6c: {  	_ =	shalt  }
0x6d: {  	_ =	shalt  }
0x6e: {  	_ =	shalt  }
0x6f: {  	_ =	shalt  }
0x70: {  	_ =	shalt  }
0x71: {  	_ =	shalt  }
0x72: {  	_ =	shalt  }
0x73: {  	_ =	shalt  }
0x74: {  	_ =	shalt  }
0x75: {  	_ =	shalt  }
0x76: {  	_ =	shalt  }
0x77: {  	_ =	shalt  }
0x78: {  	_ =	shalt  }
0x79: {  	_ =	shalt  }
0x7a: {  	_ =	shalt  }
0x7b: {  	_ =	shalt  }
0x7c: {  	_ =	shalt  }
0x7d: {  	_ =	shalt  }
0x7e: {  	_ =	shalt  }
0x7f: {  	_ =	shalt  }
0x80: {  	_ =	shalt  }
0x81: {  	_ =	shalt  }
0x82: {  	_ =	shalt  }
0x83: {  	_ =	shalt  }
0x84: {  	_ =	shalt  }
0x85: {  	_ =	shalt  }
0x86: {  	_ =	shalt  }
0x87: {  	_ =	shalt  }
.Lfunc_end0:
.L_simem_size_0:
called_computation.1_lowered:
.L_overlay_start_0:
0x88: {  	s2 =	sld [smem:$0x3FD9]  }
0x89: {  	s3 =	sld [smem:$0x3FFE];
	_ =	sdelay $0x1  }
0x8a: {  	s1 =	srdreg.scid  }
0x8b: {  	s0 =	sand.u32 $0x1, s1  }
0x8c: {  	s16 =	sshll.u32 s0, $0xA;
	s2 =	sadd.s32 s3, s2  }
0x8d: {  	s2 =	sadd.s32 s2, s16  }
0x8e: {  	[smem:$0x3FBA] =	sst s2  }
0x8f: {  	_ = 	snop  }
0x90: {  	(tm) =	ssettm $0x1  }
0x91: {  	s17 =	sld [smem:$0x3FFB];
	_ =	sdelay $0x3  }
0x92: {  	_ =	strace s17  }
0x93: {  	s2 =	sld [smem:$0x3FFC];
	_ =	sdelay $0x3  }
0x94: {  	_ =	strace s2  }
0x95: {  	s2 =	sld [smem:$0x3FFD];
	_ =	sdelay $0x3  }
0x96: {  	_ =	strace s2  }
0x97: {  	_ =	strace $0x8FFFFFFF  }
0x98: {  	s18 =	sld [smem:$0x3FDB];
	_ =	sdelay $0x1  }
0x99: {  	s19 =	simm.s32 $_scs_section_size  }
0x9a: {  	s4 =	simm.s32 $_size__tile_overlayer_lowered;
	s5 =	simm.s32 $_tile_overlayer_lowered  }
0x9b: {  	s22 =	simm.s32 $0x1BFF;
	s21 =	sshll.u32 s5, $0x1;
	s2 =	sadd.s32 s19, s18  }
0x9c: {  	s6 =	simm.s32 $0x0;
	s20 =	sshll.u32 s4, $0x1;
	s4 =	sadd.s32 s21, s2  }
0x9d: {  	[timem:s6], [sflag:s22] =	dma.local [hbm:s4], s20  }
0x9e: {  	_ =	swait.ge [sflag:s22], s20  }
0x9f: {  	s3 =	ssub.s32 $0x0, s20;
	[sflag:s22] =	ssyncset.done $0x0  }
0xa0: {  	[sflag:s22] =	ssyncadd.s32 s3;
	_ =	sdelay $0x1  }
0xa1: {  	s23 =	simm.s32 $0x1B8B  }
0xa2: {  	_ =	swait.ge [sflag:s23], $0x1  }
0xa3: {  	[sflag:s23] =	ssyncset.done $0x0  }
0xa4: {  	s25 =	simm.s32 $0x1B8E;
	s24 =	sld [smem:$0x3FFE];
	[sflag:s23] =	ssyncadd.s32 $0xFFFFFFFF  }
0xa5: {  	s26 =	simm.s32 $execute0_lowered;
	[smem:$0x3FD2] =	sst s25  }
0xa6: {  	s4 =	sshll.u32 s26, $0x1;
	_ =	strace $0x80000046;
	[dreg:$0x1] =	wrdreg $0xFFFFFFFF  }
0xa7: {  	s28 =	simm.s32 $_size_execute0_lowered;
	s2 =	sadd.s32 s2, s4;
	[dreg:$0x0] =	wrdreg $0x0  }
0xa8: {  	s4 =	sshll.u32 s28, $0x1;
	[dreg:$0x2] =	wrdreg s2  }
0xa9: {  	[dreg:$0x3] =	wrdreg s4  }
0xaa: {  	[dreg:$0x4] =	wrdreg $0xC0  }
0xab: {  	_ =	task [dreg:s6], $0x5FFFF  }
0xac: {  	[dreg:$0x1] =	wrdreg $0xFFFFFFFF  }
0xad: {  	[dreg:$0x0] =	wrdreg $0x60  }
0xae: {  	[dreg:$0x2] =	wrdreg s24  }
0xaf: {  	[dreg:$0x3] =	wrdreg $0x0  }
0xb0: {  	[dreg:$0x4] =	wrdreg $0xA  }
0xb1: {  	_ =	task.clear_ibuf [dreg:s6], $0x5FFFF;
	_ =	strace $0x90000046  }
0xb2: {  	s29 =	simm.s32 $0xA;
	_ =	strace $0x80000048  }
0xb3: {  	_ =	swait.ge [sflag:s29], $0x1  }
0xb4: {  	[sflag:s29] =	ssyncadd.s32 $0xFFFFFFFF  }
0xb5: {  	_ =	strace $0x90000048  }
0xb6: {  	_ =	sfence  }
0xb7: {  	s30 =	sld [smem:$0x0];
	_ =	sdelay $0x2  }
0xb8: {  	s31 =	sshll.u32 s1, $0xD;
	s1 =	sshrl.u32 s1, $0x2  }
0xb9: {  	s3 =	sand.u32 $0x4000, s31;
	s1 =	sadd.s32 s1, s30  }
0xba: {  	s0 =	sor.u32 s3, s0;
	s1 =	sshll.u32 s1, $0x11  }
0xbb: {  	s0 =	sor.u32 s1, s0  }
0xbc: {  	s0 =	sadd.s32 $0x8F2B, s0  }
0xbd: {  	[sflag:s0] =	ssyncadd.remote.s32 $0x1  }
0xbe: {  	_ =	sfence.sel $0xFFFF  }
0xbf: {  	[dreg:$0x0] =	wrdreg $0xFFFFFFFF;
	(pc) =	sbr.abs _section_cstart, $3  }
0xc0: {  	[dreg:$0x1] =	wrdreg $0xFFFFFFFF  }
0xc1: {  	_ =	task.clear_ibuf [dreg:s6], $0x2FFFF;
	_ =	strace $0x9FFFFFFF  }
0xc2: {  	(tm) =	ssettm $0x7FFFFFFF  }
0xc3: {  	_ =	shalt  }
tec
execute0_lowered:
.L_overlay_start_1:
0x0: {  	(tag) =	ssettag $0x1  }
0x1: {  	s6 =	rddreg [dreg:$0x0]  }
0x2: {  	s0 =	srdreg.scid;
	s2 =	rddreg [dreg:$0x1]  }
0x3: {  	s3 =	simm.s32 $0x0;
	s14 =	simm.s32 $0x17400;
	s15 =	simm.s32 $0x80  }
0x4: {  	s16 =	simm.s32 $0x1A800;
	s17 =	simm.s32 $0x1;
	s9 =	sand.u32 $0x1, s0  }
0x5: {  	s18 =	simm.s32 $0x0;
	s0 =	stileid.u32;
	s7 =	smul.u32 $0x140000, s9  }
0x6: {  	[smem:$0x7FF] =	sst s3;
	s4 =	sadd.s32 $0x1EC00, s6;
	s8 =	smul.u32 $0x14000, s0  }
0x7: {  	s1 =	sshll.u32 s9, $0x4;
	s28 =	ssub.s32 $0x2, s9;
	s11 =	smul.u32 $0x50000, s0  }
0x8: {  	s31 =	sshll.u32 s0, $0x6;
	p0 =	seq.s32 s9, $0x1;
	s1 =	sor.u32 s0, s1  }
0x9: {  	s29 =	sshrl.u32 s28, $0x1;
	s5 =	smul.u32 $0x680, s1;
	s1 =	rddreg [dreg:$0x2]  }
0xa: {  	_ =	strace $0x80000047;
	s26 =	sadd.s32 s8, s7;
	s13 =	ssub.s32 s28, s29  }
.Ltmp0:
0xb: {  	s30 =	sshrl.u32 s11, $0x2;
	s7 =	sshrl.u32 s26, $0x3;
	(pc) =	sbr.rel .LBB2_1-.Ltmp0, $4  }
0xc: {  	s11 =	sadd.s32 s30, s2;
	s10 =	sadd.s32 s5, s6;
	s5 =	sadd.s32 $0x45E00, s6  }
0xd: {  	s12 =	sadd.s32 s7, s6;
	s6 =	sor.u32 $0x1C02, s31;
	s11 =	sshrl.u32 s11, $0x3  }
0xe: {  	s7 =	sadd.s32 $0x11C00, s10;
	s8 =	sadd.s32 $0x4C00, s10;
	s9 =	sadd.s32 $0x48600, s12  }
0xf: {  	s10 =	smax.u32 s13, $0x1;
	s12 =	simm.s32 $0x2;
	s13 =	simm.s32 $0x14000  }
.LBB2_7:
0x10: {  	s20 =	sadd.s32 $0x14000, s19;
	[sflag:s12] =	ssyncadd.s32 $0xFFFFC000  }
0x11: {  	[tilespmem:s16], [sflag:$0x1] =	stream.indirect.gather [hbm4b:s4+s15], $0x80, s20, s15, $0xb8;
	[tilespmem:$0x1E800] =	vst v63  }
0x12: {  	_ =	swait.ge [sflag:s17], $0x4000  }
0x13: {  	[sflag:s17] =	ssyncset.done $0x0  }
0x14: {  	s31 =	sadd.s32 $0x17400, s19;
	[sflag:s17] =	ssyncadd.s32 $0xFFFFC000  }
0x15: {  	[spmem:s2] =	stream.indirect.scatter.add.f32 [tilespmem:s16], [sflag:$0x2], $0x80, s31, s15, $0xb8;
	[tilespmem:$0x1E800] =	vst v63  }
0x16: {  	_ =	swait.ge [sflag:s12], $0x4000  }
0x17: {  	[sflag:s12] =	ssyncset.done $0x0  }
0x18: {  	[sflag:s12] =	ssyncadd.s32 $0xFFFFC000  }
.LBB2_8:
0x19: {  	s18 =	sadd.s32 $0x1, s18  }
0x1a: {  	p1 =	sne.s32 s18, s10  }
.Ltmp1:
0x1b: {  	[bflag:$0x0] =	sbarrier.arrive $0xFFFF;
	(pc) =	sbr.rel @!p1 .LBB2_9-.Ltmp1, $4  }
0x1c: {  	[hbm:s9], [sflag:s6] =	dma.local [spmem:s11], $0x2800  }
0x1d: {  	_ =	swait.ge [sflag:s12], $0x2800  }
0x1e: {  	[sflag:s12] =	ssyncset.done $0x0  }
0x1f: {  	[sflag:s12] =	ssyncadd.s32 $0xFFFFD800  }
.LBB2_1:
0x20: {  	[spmem:s11], [sflag:s6] =	dma.local [hbm:s5], $0x2800  }
0x21: {  	_ =	swait.ge [sflag:s12], $0x2800  }
0x22: {  	[sflag:s12] =	ssyncset.done $0x0  }
0x23: {  	[sflag:s12] =	ssyncadd.s32 $0xFFFFD800  }
0x24: {  	[tilespmem:s13], [sflag:$0x2] =	stream.linear.gather [hbm4b:s7+s3], $0x3400, $0x38;
	[tilespmem:$0x1E800] =	vst v63  }
0x25: {  	_ =	swait.ge [sflag:s12], $0x3400  }
0x26: {  	[sflag:s12] =	ssyncset.done $0x0  }
0x27: {  	[sflag:s12] =	ssyncadd.s32 $0xFFFFCC00  }
0x28: {  	[tilespmem:s14], [sflag:$0x2] =	stream.linear.gather [hbm4b:s8+s3], $0x3400, $0x38;
	[tilespmem:$0x1E800] =	vst v63  }
.Ltmp2:
0x29: {  	_ =	swait.ge [sflag:s12], $0x3400;
	(pc) =	sbr.rel @!p0 .LBB2_2-.Ltmp2, $4  }
0x2a: {  	[sflag:s12] =	ssyncset.done $0x0  }
0x2b: {  	[sflag:s12] =	ssyncadd.s32 $0xFFFFCC00  }
0x2c: {  	[bflag:$0x0] =	sbarrier.arrive $0xFFFF  }
0x2d: {  	s19 =	simm.s32 $0x14000  }
0x2e: {  	[tilespmem:s16], [sflag:$0x1] =	stream.indirect.gather [hbm4b:s4+s15], $0x80, s19, s15, $0xb8;
	[tilespmem:$0x1E800] =	vst v63  }
0x2f: {  	_ =	swait.ge [sflag:s17], $0x4000  }
0x30: {  	[sflag:s17] =	ssyncset.done $0x0  }
0x31: {  	s31 =	simm.s32 $0x17400;
	[sflag:s17] =	ssyncadd.s32 $0xFFFFC000  }
0x32: {  	[spmem:s2] =	stream.indirect.scatter.add.f32 [tilespmem:s16], [sflag:$0x2], $0x80, s31, s15, $0xb8;
	[tilespmem:$0x1E800] =	vst v63  }
0x33: {  	_ =	swait.ge [sflag:s12], $0x4000  }
0x34: {  	s20 =	simm.s32 $0x400;
	s19 =	simm.s32 $0x80;
	[sflag:s12] =	ssyncset.done $0x0  }
.LBB2_6:
0x35: {  	s21 =	sadd.s32 $0x14000, s19  }
0x36: {  	[sflag:s12] =	ssyncadd.s32 $0xFFFFC000;
	s22 =	smov.u32 s20;
	s23 =	sadd.s32 $0x200, s20  }
0x37: {  	[tilespmem:s16], [sflag:$0x1] =	stream.indirect.gather [hbm4b:s4+s15], $0x80, s21, s15, $0xb8;
	[tilespmem:$0x1E800] =	vst v63  }
0x38: {  	p1 =	sne.s32 s20, $0x6800;
	_ =	swait.ge [sflag:s17], $0x4000  }
.Ltmp3:
0x39: {  	[sflag:s17] =	ssyncset.done $0x0;
	(pc) =	sbr.rel @p1 .LBB2_6-.Ltmp3, $4  }
0x3a: {  	s19 =	sadd.s32 $0x17400, s19;
	[sflag:s17] =	ssyncadd.s32 $0xFFFFC000  }
0x3b: {  	[spmem:s2] =	stream.indirect.scatter.add.f32 [tilespmem:s16], [sflag:$0x2], $0x80, s19, s15, $0xb8;
	[tilespmem:$0x1E800] =	vst v63  }
0x3c: {  	_ =	swait.ge [sflag:s12], $0x4000  }
0x3d: {  	s20 =	smov.u32 s23;
	s19 =	sshra.s32 s22, $0x2;
	[sflag:s12] =	ssyncset.done $0x0  }
.Ltmp4:
0x3e: {  	_ = 	snop;
	(pc) =	sbr.rel .LBB2_7-.Ltmp4, $1  }
0x3f: {  	_ =	sdelay $0x3  }
.LBB2_2:
0x40: {  	[tilespmem:s16], [sflag:$0x1] =	stream.indirect.gather [hbm4b:s4+s15], $0x80, s19, s15, $0xb8;
	[tilespmem:$0x1E800] =	vst v63  }
0x41: {  	_ =	swait.ge [sflag:s17], $0x4000  }
0x42: {  	[sflag:s17] =	ssyncset.done $0x0  }
0x43: {  	s31 =	simm.s32 $0x17400;
	[sflag:s17] =	ssyncadd.s32 $0xFFFFC000  }
0x44: {  	[spmem:s2] =	stream.indirect.scatter.add.f32 [tilespmem:s16], [sflag:$0x2], $0x80, s31, s15, $0xb8;
	[tilespmem:$0x1E800] =	vst v63  }
0x45: {  	_ =	swait.ge [sflag:s12], $0x4000  }
0x46: {  	s20 =	simm.s32 $0x400;
	s19 =	simm.s32 $0x80;
	[sflag:s12] =	ssyncset.done $0x0  }
.LBB2_3:
0x47: {  	s21 =	sadd.s32 $0x14000, s19  }
0x48: {  	[sflag:s12] =	ssyncadd.s32 $0xFFFFC000;
	s22 =	smov.u32 s20;
	s23 =	sadd.s32 $0x200, s20  }
0x49: {  	[tilespmem:s16], [sflag:$0x1] =	stream.indirect.gather [hbm4b:s4+s15], $0x80, s21, s15, $0xb8;
	[tilespmem:$0x1E800] =	vst v63  }
0x4a: {  	p1 =	seq.s32 s20, $0xCE00;
	_ =	swait.ge [sflag:s17], $0x4000  }
.Ltmp5:
0x4b: {  	[sflag:s17] =	ssyncset.done $0x0;
	(pc) =	sbr.rel @!p1 .LBB2_3-.Ltmp5, $4  }
0x4c: {  	s19 =	sadd.s32 $0x17400, s19;
	[sflag:s17] =	ssyncadd.s32 $0xFFFFC000  }
0x4d: {  	[spmem:s2] =	stream.indirect.scatter.add.f32 [tilespmem:s16], [sflag:$0x2], $0x80, s19, s15, $0xb8;
	[tilespmem:$0x1E800] =	vst v63  }
0x4e: {  	_ =	swait.ge [sflag:s12], $0x4000  }
0x4f: {  	s20 =	smov.u32 s23;
	s19 =	sshra.s32 s22, $0x2;
	[sflag:s12] =	ssyncset.done $0x0  }
0x50: {  	s20 =	sadd.s32 $0x14000, s19;
	[sflag:s12] =	ssyncadd.s32 $0xFFFFC000  }
0x51: {  	[tilespmem:s16], [sflag:$0x1] =	stream.indirect.gather [hbm4b:s4+s15], $0x80, s20, s15, $0xb8;
	[tilespmem:$0x1E800] =	vst v63  }
0x52: {  	_ =	swait.ge [sflag:s17], $0x4000  }
0x53: {  	[sflag:s17] =	ssyncset.done $0x0  }
.Ltmp6:
0x54: {  	s31 =	sadd.s32 $0x17400, s19;
	[sflag:s17] =	ssyncadd.s32 $0xFFFFC000;
	(pc) =	sbr.rel .LBB2_8-.Ltmp6, $4  }
0x55: {  	[spmem:s2] =	stream.indirect.scatter.add.f32 [tilespmem:s16], [sflag:$0x2], $0x80, s31, s15, $0xb8;
	[tilespmem:$0x1E800] =	vst v63  }
0x56: {  	_ =	swait.ge [sflag:s12], $0x4000  }
0x57: {  	[sflag:s12] =	ssyncset.done $0x0  }
0x58: {  	[sflag:s12] =	ssyncadd.s32 $0xFFFFC000  }
.LBB2_9:
0x59: {  	_ =	sfence.sel $0x180000  }
0x5a: {  	[bflag:$0x0] =	sbarrier.arrive $0xFFFF  }
0x5b: {  	p0 =	sne.s32 s0, $0x0;
	_ =	strace $0x90000047  }
0x5c: {  	s0 =	sadd.s32 @!p0 $0x100000, s1;
	[bflag:$0x2] =	sbarrier.arrive $0xFFFF  }
0x5d: {  	[sflag:s0] =	ssyncadd.tile.s32 @!p0 $0x1;
	_ =	shalt  }
.Lfunc_end2:
_tile_overlayer_lowered:
.L_overlay_start_2:
0x5e: {  	(tag) =	ssettag $0x2  }
0x5f: {  	s0 =	rddreg [dreg:$0x0];
	s2 =	stileid.u32  }
0x60: {  	s1 =	rddreg [dreg:$0x1];
	p0 =	sne.s32 s2, $0x0  }
0x61: {  	s3 =	rddreg [dreg:$0x2];
	[bflag:$0x3] =	sbarrier.arrive $0xFFFF;
	s2 =	simm.s32 @!p0 $0x1C02  }
0x62: {  	[timem:s3], [sflag:s2] =	dma.local @!p0 [hbm:s0], s1  }
0x63: {  	s0 =	simm.s32 @!p0 $0x2  }
0x64: {  	_ =	swait.ge @!p0 [sflag:s0], s1  }
0x65: {  	s1 =	ssub.s32 @!p0 $0x0, s1;
	[sflag:s0] =	ssyncset.done @!p0 $0x0  }
0x66: {  	[sflag:s0] =	ssyncadd.s32 @!p0 s1  }
0x67: {  	[bflag:$0x3] =	sbarrier.arrive $0xFFFF  }
0x68: {  	_ =	shalt  }

// kernel: kernel.17.cloned.1.call-start
scs
__scs_entry_jumppad:
0x0: {  	(pc) =	sbr.rel $0x88, $3  }
0x1: {  	(tag) =	ssettag $0x0;
	lr =	simm.s32 $0x1  }
0x2: {  	[smem:$0x3F93] =	sst lr;
	_ =	strace $0xD0000000  }
0x3: {  	_ = 	snop  }
0x4: {  	_ = 	snop  }
0x5: {  	_ = 	snop  }
0x6: {  	_ = 	snop  }
0x7: {  	_ = 	snop  }
__scs_overlays_trampoline_lowered:
0x8: {  	[smem:$0x3FA2] =	sst s0  }
0x9: {  	[smem:$0x3FA3] =	sst s1  }
0xa: {  	[smem:$0x3FA4] =	sst s2  }
0xb: {  	[smem:$0x3FA5] =	sst s3  }
0xc: {  	[smem:$0x3FA6] =	sst s4  }
0xd: {  	[smem:$0x3FA7] =	sst s5  }
0xe: {  	[smem:$0x3FA8] =	sst s6  }
0xf: {  	[smem:$0x3FA9] =	sst s7  }
0x10: {  	[smem:$0x3FAA] =	sst s8  }
0x11: {  	[smem:$0x3FAB] =	sst s9;
	s0 =	simm.s32 @!p0 $0x0  }
0x12: {  	s1 =	sld [smem:$0x3F91];
	s0 =	simm.s32 @p0 $0x1  }
0x13: {  	[smem:$0x3FAC] =	sst s0;
	s0 =	simm.s32 @!p1 $0x0  }
0x14: {  	s2 =	sld [smem:$0x3F90];
	s0 =	simm.s32 @p1 $0x1  }
0x15: {  	[smem:$0x3FAD] =	sst s0;
	s0 =	simm.s32 @!p2 $0x0  }
0x16: {  	s3 =	sld [smem:$0x3FDB];
	s0 =	simm.s32 @p2 $0x1  }
0x17: {  	s4 =	simm.s32 $0x1BF5;
	[smem:$0x3FAF] =	sst s0  }
0x18: {  	s0 =	sld [smem:$0x3F92];
	_ =	swait.ge [sflag:s4], $0x0  }
0x19: {  	s7 =	sld [smem:$0x3F93]  }
0x1a: {  	s8 =	sadd.s32 $0xFFFFE003, lr  }
0x1b: {  	s9 =	sadd.s32 $0xFFFFFEF7, lr;
	s5 =	simm.s32 $0xFFFFFFFF;
	p2 =	slt.u32 s8, $0xFFFFF086  }
0x1c: {  	p1 =	slt.u32 s9, $0xF7A;
	s5 =	simm.s32 @!p2 $0x0  }
0x1d: {  	s5 =	simm.s32 @p1 $0x1;
	p0 =	seq.s32 s7, s2  }
0x1e: {  	s7 =	smul.u32 @!p0 $0xF7A, s2;
	p2 =	seq.s32 @!p0 s5, $0x0  }
0x1f: {  	s9 =	smul.u32 $0xF7A, s1;
	s8 =	simm.s32 @!p0 $0x1BF5;
	p2 =	por !p2, p0  }
0x20: {  	[sflag:s8] =	ssyncset.s32 @!p0 $0xFFFFF086;
	s6 =	sadd.s32 @!p0 s3, s7;
	s7 =	simm.s32 @!p0 $0x108  }
0x21: {  	s3 =	sadd.s32 s3, s9;
	s6 =	sadd.s32 @!p0 $0x88, s6;
	s7 =	simm.s32 @p2 $0x1082  }
0x22: {  	[simem:s7], [sflag:s8] =	dma.local @!p0 [hbm:s6], $0xF7A  }
0x23: {  	s9 =	sor.u32 $0xD0000000, s2;
	s6 =	simm.s32 $0x108;
	_ =	swait.ge @!p0 [sflag:s8], $0x0  }
0x24: {  	s3 =	sadd.s32 $0x88, s3;
	s6 =	simm.s32 @!p1 $0x1082;
	[sflag:s4] =	ssyncset.s32 $0xFFFFF086  }
0x25: {  	[simem:s6], [sflag:s4] =	dma.local [hbm:s3], $0xF7A  }
0x26: {  	[smem:$0x3F93] =	sst s1;
	(tag) =	ssettag s2;
	_ =	strace s9  }
0x27: {  	s1 =	sld [smem:$0x3FA3]  }
0x28: {  	s2 =	sld [smem:$0x3FA4]  }
0x29: {  	s4 =	sld [smem:$0x3FA6]  }
0x2a: {  	p0 =	seq.s32 s5, $0x0;
	s5 =	sld [smem:$0x3FA7]  }
0x2b: {  	s6 =	sld [smem:$0x3FA8]  }
0x2c: {  	s7 =	sld [smem:$0x3FA9]  }
0x2d: {  	s3 =	simm.s32 $0x108;
	s8 =	sld [smem:$0x3FAA]  }
0x2e: {  	s3 =	simm.s32 @!p0 $0x1082;
	s9 =	sld [smem:$0x3FAB]  }
0x2f: {  	lr =	sadd.s32 s0, s3;
	s0 =	sld [smem:$0x3FA2]  }
0x30: {  	s3 =	sld [smem:$0x3FA5]  }
0x31: {  	[smem:$0x3FAE] =	sst s10  }
0x32: {  	s10 =	sld [smem:$0x3FAC];
	_ =	sdelay $0x3  }
0x33: {  	p0 =	seq.s32 s10, $0x1;
	s10 =	sld [smem:$0x3FAE];
	_ =	sdelay $0x3  }
0x34: {  	[smem:$0x3FAE] =	sst s10  }
0x35: {  	s10 =	sld [smem:$0x3FAD];
	_ =	sdelay $0x3  }
0x36: {  	p1 =	seq.s32 s10, $0x1;
	s10 =	sld [smem:$0x3FAE];
	_ =	sdelay $0x3  }
0x37: {  	[smem:$0x3FAE] =	sst s10  }
0x38: {  	s10 =	sld [smem:$0x3FAF]  }
0x39: {  	_ = 	snop;
	(pc) =	sbr.ind lr, $3  }
0x3a: {  	_ = 	snop  }
0x3b: {  	_ = 	snop  }
0x3c: {  	p2 =	seq.s32 s10, $0x1;
	s10 =	sld [smem:$0x3FAE]  }
0x3d: {  	_ =	shalt  }
0x3e: {  	_ =	shalt  }
0x3f: {  	_ =	shalt  }
0x40: {  	_ =	shalt  }
0x41: {  	_ =	shalt  }
0x42: {  	_ =	shalt  }
0x43: {  	_ =	shalt  }
0x44: {  	_ =	shalt  }
0x45: {  	_ =	shalt  }
0x46: {  	_ =	shalt  }
0x47: {  	_ =	shalt  }
0x48: {  	_ =	shalt  }
0x49: {  	_ =	shalt  }
0x4a: {  	_ =	shalt  }
0x4b: {  	_ =	shalt  }
0x4c: {  	_ =	shalt  }
0x4d: {  	_ =	shalt  }
0x4e: {  	_ =	shalt  }
0x4f: {  	_ =	shalt  }
0x50: {  	_ =	shalt  }
0x51: {  	_ =	shalt  }
0x52: {  	_ =	shalt  }
0x53: {  	_ =	shalt  }
0x54: {  	_ =	shalt  }
0x55: {  	_ =	shalt  }
0x56: {  	_ =	shalt  }
0x57: {  	_ =	shalt  }
0x58: {  	_ =	shalt  }
0x59: {  	_ =	shalt  }
0x5a: {  	_ =	shalt  }
0x5b: {  	_ =	shalt  }
0x5c: {  	_ =	shalt  }
0x5d: {  	_ =	shalt  }
0x5e: {  	_ =	shalt  }
0x5f: {  	_ =	shalt  }
0x60: {  	_ =	shalt  }
0x61: {  	_ =	shalt  }
0x62: {  	_ =	shalt  }
0x63: {  	_ =	shalt  }
0x64: {  	_ =	shalt  }
0x65: {  	_ =	shalt  }
0x66: {  	_ =	shalt  }
0x67: {  	_ =	shalt  }
0x68: {  	_ =	shalt  }
0x69: {  	_ =	shalt  }
0x6a: {  	_ =	shalt  }
0x6b: {  	_ =	shalt  }
0x6c: {  	_ =	shalt  }
0x6d: {  	_ =	shalt  }
0x6e: {  	_ =	shalt  }
0x6f: {  	_ =	shalt  }
0x70: {  	_ =	shalt  }
0x71: {  	_ =	shalt  }
0x72: {  	_ =	shalt  }
0x73: {  	_ =	shalt  }
0x74: {  	_ =	shalt  }
0x75: {  	_ =	shalt  }
0x76: {  	_ =	shalt  }
0x77: {  	_ =	shalt  }
0x78: {  	_ =	shalt  }
0x79: {  	_ =	shalt  }
0x7a: {  	_ =	shalt  }
0x7b: {  	_ =	shalt  }
0x7c: {  	_ =	shalt  }
0x7d: {  	_ =	shalt  }
0x7e: {  	_ =	shalt  }
0x7f: {  	_ =	shalt  }
0x80: {  	_ =	shalt  }
0x81: {  	_ =	shalt  }
0x82: {  	_ =	shalt  }
0x83: {  	_ =	shalt  }
0x84: {  	_ =	shalt  }
0x85: {  	_ =	shalt  }
0x86: {  	_ =	shalt  }
0x87: {  	_ =	shalt  }
.Lfunc_end0:
.L_simem_size_0:
called_computation.2_lowered:
.L_overlay_start_0:
0x88: {  	s2 =	sld [smem:$0x3FD9]  }
0x89: {  	s3 =	sld [smem:$0x3FFE];
	_ =	sdelay $0x1  }
0x8a: {  	s1 =	srdreg.scid  }
0x8b: {  	s0 =	sand.u32 $0x1, s1  }
0x8c: {  	s16 =	sshll.u32 s0, $0xA;
	s2 =	sadd.s32 s3, s2  }
0x8d: {  	s2 =	sadd.s32 s2, s16  }
0x8e: {  	[smem:$0x3FBA] =	sst s2  }
0x8f: {  	_ = 	snop  }
0x90: {  	(tm) =	ssettm $0x1  }
0x91: {  	s17 =	sld [smem:$0x3FFB];
	_ =	sdelay $0x3  }
0x92: {  	_ =	strace s17  }
0x93: {  	s2 =	sld [smem:$0x3FFC];
	_ =	sdelay $0x3  }
0x94: {  	_ =	strace s2  }
0x95: {  	s2 =	sld [smem:$0x3FFD];
	_ =	sdelay $0x3  }
0x96: {  	_ =	strace s2  }
0x97: {  	_ =	strace $0x8FFFFFFF  }
0x98: {  	s18 =	sld [smem:$0x3FDB];
	_ =	sdelay $0x1  }
0x99: {  	s19 =	simm.s32 $_scs_section_size  }
0x9a: {  	s4 =	simm.s32 $_size__tile_overlayer_lowered;
	s5 =	simm.s32 $_tile_overlayer_lowered  }
0x9b: {  	s22 =	simm.s32 $0x1BFF;
	s21 =	sshll.u32 s5, $0x1;
	s2 =	sadd.s32 s19, s18  }
0x9c: {  	s6 =	simm.s32 $0x0;
	s20 =	sshll.u32 s4, $0x1;
	s4 =	sadd.s32 s21, s2  }
0x9d: {  	[timem:s6], [sflag:s22] =	dma.local [hbm:s4], s20  }
0x9e: {  	_ =	swait.ge [sflag:s22], s20  }
0x9f: {  	s3 =	ssub.s32 $0x0, s20;
	[sflag:s22] =	ssyncset.done $0x0  }
0xa0: {  	[sflag:s22] =	ssyncadd.s32 s3;
	_ =	sdelay $0x1  }
0xa1: {  	s23 =	simm.s32 $0x1B8B  }
0xa2: {  	_ =	swait.ge [sflag:s23], $0x1  }
0xa3: {  	[sflag:s23] =	ssyncset.done $0x0  }
0xa4: {  	s25 =	simm.s32 $0x1B8E;
	s24 =	sld [smem:$0x3FFE];
	[sflag:s23] =	ssyncadd.s32 $0xFFFFFFFF  }
0xa5: {  	s26 =	simm.s32 $execute0_lowered;
	[smem:$0x3FD2] =	sst s25  }
0xa6: {  	s4 =	sshll.u32 s26, $0x1;
	_ =	strace $0x8000004C;
	[dreg:$0x1] =	wrdreg $0xFFFFFFFF  }
0xa7: {  	s28 =	simm.s32 $_size_execute0_lowered;
	s2 =	sadd.s32 s2, s4;
	[dreg:$0x0] =	wrdreg $0x0  }
0xa8: {  	s4 =	sshll.u32 s28, $0x1;
	[dreg:$0x2] =	wrdreg s2  }
0xa9: {  	[dreg:$0x3] =	wrdreg s4  }
0xaa: {  	[dreg:$0x4] =	wrdreg $0xC0  }
0xab: {  	_ =	task [dreg:s6], $0x5FFFF  }
0xac: {  	[dreg:$0x1] =	wrdreg $0xFFFFFFFF  }
0xad: {  	[dreg:$0x0] =	wrdreg $0x60  }
0xae: {  	[dreg:$0x2] =	wrdreg s24  }
0xaf: {  	[dreg:$0x3] =	wrdreg $0x0  }
0xb0: {  	[dreg:$0x4] =	wrdreg $0x9  }
0xb1: {  	_ =	task.clear_ibuf [dreg:s6], $0x5FFFF;
	_ =	strace $0x9000004C  }
0xb2: {  	s29 =	simm.s32 $0x9;
	_ =	strace $0x8000004E  }
0xb3: {  	_ =	swait.ge [sflag:s29], $0x1  }
0xb4: {  	[sflag:s29] =	ssyncadd.s32 $0xFFFFFFFF  }
0xb5: {  	_ =	strace $0x9000004E  }
0xb6: {  	_ =	sfence  }
0xb7: {  	s30 =	sld [smem:$0x0];
	_ =	sdelay $0x2  }
0xb8: {  	s31 =	sshll.u32 s1, $0xD;
	s1 =	sshrl.u32 s1, $0x2  }
0xb9: {  	s3 =	sand.u32 $0x4000, s31;
	s1 =	sadd.s32 s1, s30  }
0xba: {  	s0 =	sor.u32 s3, s0;
	s1 =	sshll.u32 s1, $0x11  }
0xbb: {  	s0 =	sor.u32 s1, s0  }
0xbc: {  	s0 =	sadd.s32 $0x8F2B, s0  }
0xbd: {  	[sflag:s0] =	ssyncadd.remote.s32 $0x1  }
0xbe: {  	_ =	sfence.sel $0xFFFF  }
0xbf: {  	[dreg:$0x0] =	wrdreg $0xFFFFFFFF;
	(pc) =	sbr.abs _section_cstart, $3  }
0xc0: {  	[dreg:$0x1] =	wrdreg $0xFFFFFFFF  }
0xc1: {  	_ =	task.clear_ibuf [dreg:s6], $0x2FFFF;
	_ =	strace $0x9FFFFFFF  }
0xc2: {  	(tm) =	ssettm $0x7FFFFFFF  }
0xc3: {  	_ =	shalt  }
tec
execute0_lowered:
.L_overlay_start_1:
0x0: {  	(tag) =	ssettag $0x1  }
0x1: {  	s6 =	rddreg [dreg:$0x0]  }
0x2: {  	s0 =	srdreg.scid;
	s2 =	rddreg [dreg:$0x1]  }
0x3: {  	s3 =	simm.s32 $0x0;
	s14 =	simm.s32 $0x17400;
	s15 =	simm.s32 $0x80  }
0x4: {  	s16 =	simm.s32 $0x1A800;
	s17 =	simm.s32 $0x1;
	s9 =	sand.u32 $0x1, s0  }
0x5: {  	s18 =	simm.s32 $0x0;
	s0 =	stileid.u32;
	s7 =	smul.u32 $0x140000, s9  }
0x6: {  	[smem:$0x7FF] =	sst s3;
	s4 =	sadd.s32 $0x1EC00, s6;
	s8 =	smul.u32 $0x14000, s0  }
0x7: {  	s1 =	sshll.u32 s9, $0x4;
	s28 =	ssub.s32 $0x2, s9;
	s11 =	smul.u32 $0x50000, s0  }
0x8: {  	s31 =	sshll.u32 s0, $0x6;
	p0 =	seq.s32 s9, $0x1;
	s1 =	sor.u32 s0, s1  }
0x9: {  	s29 =	sshrl.u32 s28, $0x1;
	s5 =	smul.u32 $0x680, s1;
	s1 =	rddreg [dreg:$0x2]  }
0xa: {  	_ =	strace $0x8000004D;
	s26 =	sadd.s32 s8, s7;
	s13 =	ssub.s32 s28, s29  }
.Ltmp0:
0xb: {  	s30 =	sshrl.u32 s11, $0x2;
	s7 =	sshrl.u32 s26, $0x3;
	(pc) =	sbr.rel .LBB2_1-.Ltmp0, $4  }
0xc: {  	s11 =	sadd.s32 s30, s2;
	s10 =	sadd.s32 s5, s6;
	s5 =	sadd.s32 $0x45E00, s6  }
0xd: {  	s12 =	sadd.s32 s7, s6;
	s6 =	sor.u32 $0x1C02, s31;
	s11 =	sshrl.u32 s11, $0x3  }
0xe: {  	s7 =	sadd.s32 $0x11C00, s10;
	s8 =	sadd.s32 $0x4C00, s10;
	s9 =	sadd.s32 $0x48600, s12  }
0xf: {  	s10 =	smax.u32 s13, $0x1;
	s12 =	simm.s32 $0x2;
	s13 =	simm.s32 $0x14000  }
.LBB2_7:
0x10: {  	s20 =	sadd.s32 $0x14000, s19;
	[sflag:s12] =	ssyncadd.s32 $0xFFFFC000  }
0x11: {  	[tilespmem:s16], [sflag:$0x1] =	stream.indirect.gather [hbm4b:s4+s15], $0x80, s20, s15, $0xb8;
	[tilespmem:$0x1E800] =	vst v63  }
0x12: {  	_ =	swait.ge [sflag:s17], $0x4000  }
0x13: {  	[sflag:s17] =	ssyncset.done $0x0  }
0x14: {  	s31 =	sadd.s32 $0x17400, s19;
	[sflag:s17] =	ssyncadd.s32 $0xFFFFC000  }
0x15: {  	[spmem:s2] =	stream.indirect.scatter.add.f32 [tilespmem:s16], [sflag:$0x2], $0x80, s31, s15, $0xb8;
	[tilespmem:$0x1E800] =	vst v63  }
0x16: {  	_ =	swait.ge [sflag:s12], $0x4000  }
0x17: {  	[sflag:s12] =	ssyncset.done $0x0  }
0x18: {  	[sflag:s12] =	ssyncadd.s32 $0xFFFFC000  }
.LBB2_8:
0x19: {  	s18 =	sadd.s32 $0x1, s18  }
0x1a: {  	p1 =	sne.s32 s18, s10  }
.Ltmp1:
0x1b: {  	[bflag:$0x0] =	sbarrier.arrive $0xFFFF;
	(pc) =	sbr.rel @!p1 .LBB2_9-.Ltmp1, $4  }
0x1c: {  	[hbm:s9], [sflag:s6] =	dma.local [spmem:s11], $0x2800  }
0x1d: {  	_ =	swait.ge [sflag:s12], $0x2800  }
0x1e: {  	[sflag:s12] =	ssyncset.done $0x0  }
0x1f: {  	[sflag:s12] =	ssyncadd.s32 $0xFFFFD800  }
.LBB2_1:
0x20: {  	[spmem:s11], [sflag:s6] =	dma.local [hbm:s5], $0x2800  }
0x21: {  	_ =	swait.ge [sflag:s12], $0x2800  }
0x22: {  	[sflag:s12] =	ssyncset.done $0x0  }
0x23: {  	[sflag:s12] =	ssyncadd.s32 $0xFFFFD800  }
0x24: {  	[tilespmem:s13], [sflag:$0x2] =	stream.linear.gather [hbm4b:s7+s3], $0x3400, $0x38;
	[tilespmem:$0x1E800] =	vst v63  }
0x25: {  	_ =	swait.ge [sflag:s12], $0x3400  }
0x26: {  	[sflag:s12] =	ssyncset.done $0x0  }
0x27: {  	[sflag:s12] =	ssyncadd.s32 $0xFFFFCC00  }
0x28: {  	[tilespmem:s14], [sflag:$0x2] =	stream.linear.gather [hbm4b:s8+s3], $0x3400, $0x38;
	[tilespmem:$0x1E800] =	vst v63  }
.Ltmp2:
0x29: {  	_ =	swait.ge [sflag:s12], $0x3400;
	(pc) =	sbr.rel @!p0 .LBB2_2-.Ltmp2, $4  }
0x2a: {  	[sflag:s12] =	ssyncset.done $0x0  }
0x2b: {  	[sflag:s12] =	ssyncadd.s32 $0xFFFFCC00  }
0x2c: {  	[bflag:$0x0] =	sbarrier.arrive $0xFFFF  }
0x2d: {  	s19 =	simm.s32 $0x14000  }
0x2e: {  	[tilespmem:s16], [sflag:$0x1] =	stream.indirect.gather [hbm4b:s4+s15], $0x80, s19, s15, $0xb8;
	[tilespmem:$0x1E800] =	vst v63  }
0x2f: {  	_ =	swait.ge [sflag:s17], $0x4000  }
0x30: {  	[sflag:s17] =	ssyncset.done $0x0  }
0x31: {  	s31 =	simm.s32 $0x17400;
	[sflag:s17] =	ssyncadd.s32 $0xFFFFC000  }
0x32: {  	[spmem:s2] =	stream.indirect.scatter.add.f32 [tilespmem:s16], [sflag:$0x2], $0x80, s31, s15, $0xb8;
	[tilespmem:$0x1E800] =	vst v63  }
0x33: {  	_ =	swait.ge [sflag:s12], $0x4000  }
0x34: {  	s20 =	simm.s32 $0x400;
	s19 =	simm.s32 $0x80;
	[sflag:s12] =	ssyncset.done $0x0  }
.LBB2_6:
0x35: {  	s21 =	sadd.s32 $0x14000, s19  }
0x36: {  	[sflag:s12] =	ssyncadd.s32 $0xFFFFC000;
	s22 =	smov.u32 s20;
	s23 =	sadd.s32 $0x200, s20  }
0x37: {  	[tilespmem:s16], [sflag:$0x1] =	stream.indirect.gather [hbm4b:s4+s15], $0x80, s21, s15, $0xb8;
	[tilespmem:$0x1E800] =	vst v63  }
0x38: {  	p1 =	sne.s32 s20, $0x6800;
	_ =	swait.ge [sflag:s17], $0x4000  }
.Ltmp3:
0x39: {  	[sflag:s17] =	ssyncset.done $0x0;
	(pc) =	sbr.rel @p1 .LBB2_6-.Ltmp3, $4  }
0x3a: {  	s19 =	sadd.s32 $0x17400, s19;
	[sflag:s17] =	ssyncadd.s32 $0xFFFFC000  }
0x3b: {  	[spmem:s2] =	stream.indirect.scatter.add.f32 [tilespmem:s16], [sflag:$0x2], $0x80, s19, s15, $0xb8;
	[tilespmem:$0x1E800] =	vst v63  }
0x3c: {  	_ =	swait.ge [sflag:s12], $0x4000  }
0x3d: {  	s20 =	smov.u32 s23;
	s19 =	sshra.s32 s22, $0x2;
	[sflag:s12] =	ssyncset.done $0x0  }
.Ltmp4:
0x3e: {  	_ = 	snop;
	(pc) =	sbr.rel .LBB2_7-.Ltmp4, $1  }
0x3f: {  	_ =	sdelay $0x3  }
.LBB2_2:
0x40: {  	[tilespmem:s16], [sflag:$0x1] =	stream.indirect.gather [hbm4b:s4+s15], $0x80, s19, s15, $0xb8;
	[tilespmem:$0x1E800] =	vst v63  }
0x41: {  	_ =	swait.ge [sflag:s17], $0x4000  }
0x42: {  	[sflag:s17] =	ssyncset.done $0x0  }
0x43: {  	s31 =	simm.s32 $0x17400;
	[sflag:s17] =	ssyncadd.s32 $0xFFFFC000  }
0x44: {  	[spmem:s2] =	stream.indirect.scatter.add.f32 [tilespmem:s16], [sflag:$0x2], $0x80, s31, s15, $0xb8;
	[tilespmem:$0x1E800] =	vst v63  }
0x45: {  	_ =	swait.ge [sflag:s12], $0x4000  }
0x46: {  	s20 =	simm.s32 $0x400;
	s19 =	simm.s32 $0x80;
	[sflag:s12] =	ssyncset.done $0x0  }
.LBB2_3:
0x47: {  	s21 =	sadd.s32 $0x14000, s19  }
0x48: {  	[sflag:s12] =	ssyncadd.s32 $0xFFFFC000;
	s22 =	smov.u32 s20;
	s23 =	sadd.s32 $0x200, s20  }
0x49: {  	[tilespmem:s16], [sflag:$0x1] =	stream.indirect.gather [hbm4b:s4+s15], $0x80, s21, s15, $0xb8;
	[tilespmem:$0x1E800] =	vst v63  }
0x4a: {  	p1 =	seq.s32 s20, $0xCE00;
	_ =	swait.ge [sflag:s17], $0x4000  }
.Ltmp5:
0x4b: {  	[sflag:s17] =	ssyncset.done $0x0;
	(pc) =	sbr.rel @!p1 .LBB2_3-.Ltmp5, $4  }
0x4c: {  	s19 =	sadd.s32 $0x17400, s19;
	[sflag:s17] =	ssyncadd.s32 $0xFFFFC000  }
0x4d: {  	[spmem:s2] =	stream.indirect.scatter.add.f32 [tilespmem:s16], [sflag:$0x2], $0x80, s19, s15, $0xb8;
	[tilespmem:$0x1E800] =	vst v63  }
0x4e: {  	_ =	swait.ge [sflag:s12], $0x4000  }
0x4f: {  	s20 =	smov.u32 s23;
	s19 =	sshra.s32 s22, $0x2;
	[sflag:s12] =	ssyncset.done $0x0  }
0x50: {  	s20 =	sadd.s32 $0x14000, s19;
	[sflag:s12] =	ssyncadd.s32 $0xFFFFC000  }
0x51: {  	[tilespmem:s16], [sflag:$0x1] =	stream.indirect.gather [hbm4b:s4+s15], $0x80, s20, s15, $0xb8;
	[tilespmem:$0x1E800] =	vst v63  }
0x52: {  	_ =	swait.ge [sflag:s17], $0x4000  }
0x53: {  	[sflag:s17] =	ssyncset.done $0x0  }
.Ltmp6:
0x54: {  	s31 =	sadd.s32 $0x17400, s19;
	[sflag:s17] =	ssyncadd.s32 $0xFFFFC000;
	(pc) =	sbr.rel .LBB2_8-.Ltmp6, $4  }
0x55: {  	[spmem:s2] =	stream.indirect.scatter.add.f32 [tilespmem:s16], [sflag:$0x2], $0x80, s31, s15, $0xb8;
	[tilespmem:$0x1E800] =	vst v63  }
0x56: {  	_ =	swait.ge [sflag:s12], $0x4000  }
0x57: {  	[sflag:s12] =	ssyncset.done $0x0  }
0x58: {  	[sflag:s12] =	ssyncadd.s32 $0xFFFFC000  }
.LBB2_9:
0x59: {  	_ =	sfence.sel $0x180000  }
0x5a: {  	[bflag:$0x0] =	sbarrier.arrive $0xFFFF  }
0x5b: {  	p0 =	sne.s32 s0, $0x0;
	_ =	strace $0x9000004D  }
0x5c: {  	s0 =	sadd.s32 @!p0 $0x100000, s1;
	[bflag:$0x2] =	sbarrier.arrive $0xFFFF  }
0x5d: {  	[sflag:s0] =	ssyncadd.tile.s32 @!p0 $0x1;
	_ =	shalt  }
.Lfunc_end2:
_tile_overlayer_lowered:
.L_overlay_start_2:
0x5e: {  	(tag) =	ssettag $0x2  }
0x5f: {  	s0 =	rddreg [dreg:$0x0];
	s2 =	stileid.u32  }
0x60: {  	s1 =	rddreg [dreg:$0x1];
	p0 =	sne.s32 s2, $0x0  }
0x61: {  	s3 =	rddreg [dreg:$0x2];
	[bflag:$0x3] =	sbarrier.arrive $0xFFFF;
	s2 =	simm.s32 @!p0 $0x1C02  }
0x62: {  	[timem:s3], [sflag:s2] =	dma.local @!p0 [hbm:s0], s1  }
0x63: {  	s0 =	simm.s32 @!p0 $0x2  }
0x64: {  	_ =	swait.ge @!p0 [sflag:s0], s1  }
0x65: {  	s1 =	ssub.s32 @!p0 $0x0, s1;
	[sflag:s0] =	ssyncset.done @!p0 $0x0  }
0x66: {  	[sflag:s0] =	ssyncadd.s32 @!p0 s1  }
0x67: {  	[bflag:$0x3] =	sbarrier.arrive $0xFFFF  }
0x68: {  	_ =	shalt  }

// kernel: kernel.20.cloned.1.call-start
scs
__scs_entry_jumppad:
0x0: {  	(pc) =	sbr.rel $0x88, $3  }
0x1: {  	(tag) =	ssettag $0x0;
	lr =	simm.s32 $0x1  }
0x2: {  	[smem:$0x3F93] =	sst lr;
	_ =	strace $0xD0000000  }
0x3: {  	_ = 	snop  }
0x4: {  	_ = 	snop  }
0x5: {  	_ = 	snop  }
0x6: {  	_ = 	snop  }
0x7: {  	_ = 	snop  }
__scs_overlays_trampoline_lowered:
0x8: {  	[smem:$0x3FA2] =	sst s0  }
0x9: {  	[smem:$0x3FA3] =	sst s1  }
0xa: {  	[smem:$0x3FA4] =	sst s2  }
0xb: {  	[smem:$0x3FA5] =	sst s3  }
0xc: {  	[smem:$0x3FA6] =	sst s4  }
0xd: {  	[smem:$0x3FA7] =	sst s5  }
0xe: {  	[smem:$0x3FA8] =	sst s6  }
0xf: {  	[smem:$0x3FA9] =	sst s7  }
0x10: {  	[smem:$0x3FAA] =	sst s8  }
0x11: {  	[smem:$0x3FAB] =	sst s9;
	s0 =	simm.s32 @!p0 $0x0  }
0x12: {  	s1 =	sld [smem:$0x3F91];
	s0 =	simm.s32 @p0 $0x1  }
0x13: {  	[smem:$0x3FAC] =	sst s0;
	s0 =	simm.s32 @!p1 $0x0  }
0x14: {  	s2 =	sld [smem:$0x3F90];
	s0 =	simm.s32 @p1 $0x1  }
0x15: {  	[smem:$0x3FAD] =	sst s0;
	s0 =	simm.s32 @!p2 $0x0  }
0x16: {  	s3 =	sld [smem:$0x3FDB];
	s0 =	simm.s32 @p2 $0x1  }
0x17: {  	s4 =	simm.s32 $0x1BF5;
	[smem:$0x3FAF] =	sst s0  }
0x18: {  	s0 =	sld [smem:$0x3F92];
	_ =	swait.ge [sflag:s4], $0x0  }
0x19: {  	s7 =	sld [smem:$0x3F93]  }
0x1a: {  	s8 =	sadd.s32 $0xFFFFE003, lr  }
0x1b: {  	s9 =	sadd.s32 $0xFFFFFEF7, lr;
	s5 =	simm.s32 $0xFFFFFFFF;
	p2 =	slt.u32 s8, $0xFFFFF086  }
0x1c: {  	p1 =	slt.u32 s9, $0xF7A;
	s5 =	simm.s32 @!p2 $0x0  }
0x1d: {  	s5 =	simm.s32 @p1 $0x1;
	p0 =	seq.s32 s7, s2  }
0x1e: {  	s7 =	smul.u32 @!p0 $0xF7A, s2;
	p2 =	seq.s32 @!p0 s5, $0x0  }
0x1f: {  	s9 =	smul.u32 $0xF7A, s1;
	s8 =	simm.s32 @!p0 $0x1BF5;
	p2 =	por !p2, p0  }
0x20: {  	[sflag:s8] =	ssyncset.s32 @!p0 $0xFFFFF086;
	s6 =	sadd.s32 @!p0 s3, s7;
	s7 =	simm.s32 @!p0 $0x108  }
0x21: {  	s3 =	sadd.s32 s3, s9;
	s6 =	sadd.s32 @!p0 $0x88, s6;
	s7 =	simm.s32 @p2 $0x1082  }
0x22: {  	[simem:s7], [sflag:s8] =	dma.local @!p0 [hbm:s6], $0xF7A  }
0x23: {  	s9 =	sor.u32 $0xD0000000, s2;
	s6 =	simm.s32 $0x108;
	_ =	swait.ge @!p0 [sflag:s8], $0x0  }
0x24: {  	s3 =	sadd.s32 $0x88, s3;
	s6 =	simm.s32 @!p1 $0x1082;
	[sflag:s4] =	ssyncset.s32 $0xFFFFF086  }
0x25: {  	[simem:s6], [sflag:s4] =	dma.local [hbm:s3], $0xF7A  }
0x26: {  	[smem:$0x3F93] =	sst s1;
	(tag) =	ssettag s2;
	_ =	strace s9  }
0x27: {  	s1 =	sld [smem:$0x3FA3]  }
0x28: {  	s2 =	sld [smem:$0x3FA4]  }
0x29: {  	s4 =	sld [smem:$0x3FA6]  }
0x2a: {  	p0 =	seq.s32 s5, $0x0;
	s5 =	sld [smem:$0x3FA7]  }
0x2b: {  	s6 =	sld [smem:$0x3FA8]  }
0x2c: {  	s7 =	sld [smem:$0x3FA9]  }
0x2d: {  	s3 =	simm.s32 $0x108;
	s8 =	sld [smem:$0x3FAA]  }
0x2e: {  	s3 =	simm.s32 @!p0 $0x1082;
	s9 =	sld [smem:$0x3FAB]  }
0x2f: {  	lr =	sadd.s32 s0, s3;
	s0 =	sld [smem:$0x3FA2]  }
0x30: {  	s3 =	sld [smem:$0x3FA5]  }
0x31: {  	[smem:$0x3FAE] =	sst s10  }
0x32: {  	s10 =	sld [smem:$0x3FAC];
	_ =	sdelay $0x3  }
0x33: {  	p0 =	seq.s32 s10, $0x1;
	s10 =	sld [smem:$0x3FAE];
	_ =	sdelay $0x3  }
0x34: {  	[smem:$0x3FAE] =	sst s10  }
0x35: {  	s10 =	sld [smem:$0x3FAD];
	_ =	sdelay $0x3  }
0x36: {  	p1 =	seq.s32 s10, $0x1;
	s10 =	sld [smem:$0x3FAE];
	_ =	sdelay $0x3  }
0x37: {  	[smem:$0x3FAE] =	sst s10  }
0x38: {  	s10 =	sld [smem:$0x3FAF]  }
0x39: {  	_ = 	snop;
	(pc) =	sbr.ind lr, $3  }
0x3a: {  	_ = 	snop  }
0x3b: {  	_ = 	snop  }
0x3c: {  	p2 =	seq.s32 s10, $0x1;
	s10 =	sld [smem:$0x3FAE]  }
0x3d: {  	_ =	shalt  }
0x3e: {  	_ =	shalt  }
0x3f: {  	_ =	shalt  }
0x40: {  	_ =	shalt  }
0x41: {  	_ =	shalt  }
0x42: {  	_ =	shalt  }
0x43: {  	_ =	shalt  }
0x44: {  	_ =	shalt  }
0x45: {  	_ =	shalt  }
0x46: {  	_ =	shalt  }
0x47: {  	_ =	shalt  }
0x48: {  	_ =	shalt  }
0x49: {  	_ =	shalt  }
0x4a: {  	_ =	shalt  }
0x4b: {  	_ =	shalt  }
0x4c: {  	_ =	shalt  }
0x4d: {  	_ =	shalt  }
0x4e: {  	_ =	shalt  }
0x4f: {  	_ =	shalt  }
0x50: {  	_ =	shalt  }
0x51: {  	_ =	shalt  }
0x52: {  	_ =	shalt  }
0x53: {  	_ =	shalt  }
0x54: {  	_ =	shalt  }
0x55: {  	_ =	shalt  }
0x56: {  	_ =	shalt  }
0x57: {  	_ =	shalt  }
0x58: {  	_ =	shalt  }
0x59: {  	_ =	shalt  }
0x5a: {  	_ =	shalt  }
0x5b: {  	_ =	shalt  }
0x5c: {  	_ =	shalt  }
0x5d: {  	_ =	shalt  }
0x5e: {  	_ =	shalt  }
0x5f: {  	_ =	shalt  }
0x60: {  	_ =	shalt  }
0x61: {  	_ =	shalt  }
0x62: {  	_ =	shalt  }
0x63: {  	_ =	shalt  }
0x64: {  	_ =	shalt  }
0x65: {  	_ =	shalt  }
0x66: {  	_ =	shalt  }
0x67: {  	_ =	shalt  }
0x68: {  	_ =	shalt  }
0x69: {  	_ =	shalt  }
0x6a: {  	_ =	shalt  }
0x6b: {  	_ =	shalt  }
0x6c: {  	_ =	shalt  }
0x6d: {  	_ =	shalt  }
0x6e: {  	_ =	shalt  }
0x6f: {  	_ =	shalt  }
0x70: {  	_ =	shalt  }
0x71: {  	_ =	shalt  }
0x72: {  	_ =	shalt  }
0x73: {  	_ =	shalt  }
0x74: {  	_ =	shalt  }
0x75: {  	_ =	shalt  }
0x76: {  	_ =	shalt  }
0x77: {  	_ =	shalt  }
0x78: {  	_ =	shalt  }
0x79: {  	_ =	shalt  }
0x7a: {  	_ =	shalt  }
0x7b: {  	_ =	shalt  }
0x7c: {  	_ =	shalt  }
0x7d: {  	_ =	shalt  }
0x7e: {  	_ =	shalt  }
0x7f: {  	_ =	shalt  }
0x80: {  	_ =	shalt  }
0x81: {  	_ =	shalt  }
0x82: {  	_ =	shalt  }
0x83: {  	_ =	shalt  }
0x84: {  	_ =	shalt  }
0x85: {  	_ =	shalt  }
0x86: {  	_ =	shalt  }
0x87: {  	_ =	shalt  }
.Lfunc_end0:
.L_simem_size_0:
called_computation.3_lowered:
.L_overlay_start_0:
0x88: {  	s2 =	sld [smem:$0x3FD9]  }
0x89: {  	s3 =	sld [smem:$0x3FFE];
	_ =	sdelay $0x1  }
0x8a: {  	s1 =	srdreg.scid  }
0x8b: {  	s0 =	sand.u32 $0x1, s1  }
0x8c: {  	s16 =	sshll.u32 s0, $0xA;
	s2 =	sadd.s32 s3, s2  }
0x8d: {  	s2 =	sadd.s32 s2, s16  }
0x8e: {  	[smem:$0x3FBA] =	sst s2  }
0x8f: {  	_ = 	snop  }
0x90: {  	(tm) =	ssettm $0x1  }
0x91: {  	s17 =	sld [smem:$0x3FFB];
	_ =	sdelay $0x3  }
0x92: {  	_ =	strace s17  }
0x93: {  	s2 =	sld [smem:$0x3FFC];
	_ =	sdelay $0x3  }
0x94: {  	_ =	strace s2  }
0x95: {  	s2 =	sld [smem:$0x3FFD];
	_ =	sdelay $0x3  }
0x96: {  	_ =	strace s2  }
0x97: {  	_ =	strace $0x8FFFFFFF  }
0x98: {  	s18 =	sld [smem:$0x3FDB];
	_ =	sdelay $0x1  }
0x99: {  	s19 =	simm.s32 $_scs_section_size  }
0x9a: {  	s4 =	simm.s32 $_size__tile_overlayer_lowered;
	s5 =	simm.s32 $_tile_overlayer_lowered  }
0x9b: {  	s22 =	simm.s32 $0x1BFF;
	s21 =	sshll.u32 s5, $0x1;
	s2 =	sadd.s32 s19, s18  }
0x9c: {  	s6 =	simm.s32 $0x0;
	s20 =	sshll.u32 s4, $0x1;
	s4 =	sadd.s32 s21, s2  }
0x9d: {  	[timem:s6], [sflag:s22] =	dma.local [hbm:s4], s20  }
0x9e: {  	_ =	swait.ge [sflag:s22], s20  }
0x9f: {  	s3 =	ssub.s32 $0x0, s20;
	[sflag:s22] =	ssyncset.done $0x0  }
0xa0: {  	[sflag:s22] =	ssyncadd.s32 s3;
	_ =	sdelay $0x1  }
0xa1: {  	s23 =	simm.s32 $0x1B8B  }
0xa2: {  	_ =	swait.ge [sflag:s23], $0x1  }
0xa3: {  	[sflag:s23] =	ssyncset.done $0x0  }
0xa4: {  	s25 =	simm.s32 $0x1B8E;
	s24 =	sld [smem:$0x3FFE];
	[sflag:s23] =	ssyncadd.s32 $0xFFFFFFFF  }
0xa5: {  	s26 =	simm.s32 $execute0_lowered;
	[smem:$0x3FD2] =	sst s25  }
0xa6: {  	s4 =	sshll.u32 s26, $0x1;
	_ =	strace $0x8000004F;
	[dreg:$0x1] =	wrdreg $0xFFFFFFFF  }
0xa7: {  	s28 =	simm.s32 $_size_execute0_lowered;
	s2 =	sadd.s32 s2, s4;
	[dreg:$0x0] =	wrdreg $0x0  }
0xa8: {  	s4 =	sshll.u32 s28, $0x1;
	[dreg:$0x2] =	wrdreg s2  }
0xa9: {  	[dreg:$0x3] =	wrdreg s4  }
0xaa: {  	[dreg:$0x4] =	wrdreg $0xC0  }
0xab: {  	_ =	task [dreg:s6], $0x5FFFF  }
0xac: {  	[dreg:$0x1] =	wrdreg $0xFFFFFFFF  }
0xad: {  	[dreg:$0x0] =	wrdreg $0x60  }
0xae: {  	[dreg:$0x2] =	wrdreg s24  }
0xaf: {  	[dreg:$0x3] =	wrdreg $0x0  }
0xb0: {  	[dreg:$0x4] =	wrdreg $0x9  }
0xb1: {  	_ =	task.clear_ibuf [dreg:s6], $0x5FFFF;
	_ =	strace $0x9000004F  }
0xb2: {  	s29 =	simm.s32 $0x9;
	_ =	strace $0x80000051  }
0xb3: {  	_ =	swait.ge [sflag:s29], $0x1  }
0xb4: {  	[sflag:s29] =	ssyncadd.s32 $0xFFFFFFFF  }
0xb5: {  	_ =	strace $0x90000051  }
0xb6: {  	_ =	sfence  }
0xb7: {  	s30 =	sld [smem:$0x0];
	_ =	sdelay $0x2  }
0xb8: {  	s31 =	sshll.u32 s1, $0xD;
	s1 =	sshrl.u32 s1, $0x2  }
0xb9: {  	s3 =	sand.u32 $0x4000, s31;
	s1 =	sadd.s32 s1, s30  }
0xba: {  	s0 =	sor.u32 s3, s0;
	s1 =	sshll.u32 s1, $0x11  }
0xbb: {  	s0 =	sor.u32 s1, s0  }
0xbc: {  	s0 =	sadd.s32 $0x8F2B, s0  }
0xbd: {  	[sflag:s0] =	ssyncadd.remote.s32 $0x1  }
0xbe: {  	_ =	sfence.sel $0xFFFF  }
0xbf: {  	[dreg:$0x0] =	wrdreg $0xFFFFFFFF;
	(pc) =	sbr.abs _section_cstart, $3  }
0xc0: {  	[dreg:$0x1] =	wrdreg $0xFFFFFFFF  }
0xc1: {  	_ =	task.clear_ibuf [dreg:s6], $0x2FFFF;
	_ =	strace $0x9FFFFFFF  }
0xc2: {  	(tm) =	ssettm $0x7FFFFFFF  }
0xc3: {  	_ =	shalt  }
tec
execute0_lowered:
.L_overlay_start_1:
0x0: {  	(tag) =	ssettag $0x1  }
0x1: {  	s6 =	rddreg [dreg:$0x0]  }
0x2: {  	s0 =	srdreg.scid;
	s2 =	rddreg [dreg:$0x1]  }
0x3: {  	s3 =	simm.s32 $0x0;
	s14 =	simm.s32 $0x17400;
	s15 =	simm.s32 $0x80  }
0x4: {  	s16 =	simm.s32 $0x1A800;
	s17 =	simm.s32 $0x1;
	s9 =	sand.u32 $0x1, s0  }
0x5: {  	s18 =	simm.s32 $0x0;
	s0 =	stileid.u32;
	s7 =	smul.u32 $0x140000, s9  }
0x6: {  	[smem:$0x7FF] =	sst s3;
	s4 =	sadd.s32 $0x1EC00, s6;
	s8 =	smul.u32 $0x14000, s0  }
0x7: {  	s1 =	sshll.u32 s9, $0x4;
	s28 =	ssub.s32 $0x2, s9;
	s11 =	smul.u32 $0x50000, s0  }
0x8: {  	s31 =	sshll.u32 s0, $0x6;
	p0 =	seq.s32 s9, $0x1;
	s1 =	sor.u32 s0, s1  }
0x9: {  	s29 =	sshrl.u32 s28, $0x1;
	s5 =	smul.u32 $0x680, s1;
	s1 =	rddreg [dreg:$0x2]  }
0xa: {  	_ =	strace $0x80000050;
	s26 =	sadd.s32 s8, s7;
	s13 =	ssub.s32 s28, s29  }
.Ltmp0:
0xb: {  	s30 =	sshrl.u32 s11, $0x2;
	s7 =	sshrl.u32 s26, $0x3;
	(pc) =	sbr.rel .LBB2_1-.Ltmp0, $4  }
0xc: {  	s11 =	sadd.s32 s30, s2;
	s10 =	sadd.s32 s5, s6;
	s5 =	sadd.s32 $0x45E00, s6  }
0xd: {  	s12 =	sadd.s32 s7, s6;
	s6 =	sor.u32 $0x1C02, s31;
	s11 =	sshrl.u32 s11, $0x3  }
0xe: {  	s7 =	sadd.s32 $0x11C00, s10;
	s8 =	sadd.s32 $0x4C00, s10;
	s9 =	sadd.s32 $0x48600, s12  }
0xf: {  	s10 =	smax.u32 s13, $0x1;
	s12 =	simm.s32 $0x2;
	s13 =	simm.s32 $0x14000  }
.LBB2_7:
0x10: {  	s20 =	sadd.s32 $0x14000, s19;
	[sflag:s12] =	ssyncadd.s32 $0xFFFFC000  }
0x11: {  	[tilespmem:s16], [sflag:$0x1] =	stream.indirect.gather [hbm4b:s4+s15], $0x80, s20, s15, $0xb8;
	[tilespmem:$0x1E800] =	vst v63  }
0x12: {  	_ =	swait.ge [sflag:s17], $0x4000  }
0x13: {  	[sflag:s17] =	ssyncset.done $0x0  }
0x14: {  	s31 =	sadd.s32 $0x17400, s19;
	[sflag:s17] =	ssyncadd.s32 $0xFFFFC000  }
0x15: {  	[spmem:s2] =	stream.indirect.scatter.add.f32 [tilespmem:s16], [sflag:$0x2], $0x80, s31, s15, $0xb8;
	[tilespmem:$0x1E800] =	vst v63  }
0x16: {  	_ =	swait.ge [sflag:s12], $0x4000  }
0x17: {  	[sflag:s12] =	ssyncset.done $0x0  }
0x18: {  	[sflag:s12] =	ssyncadd.s32 $0xFFFFC000  }
.LBB2_8:
0x19: {  	s18 =	sadd.s32 $0x1, s18  }
0x1a: {  	p1 =	sne.s32 s18, s10  }
.Ltmp1:
0x1b: {  	[bflag:$0x0] =	sbarrier.arrive $0xFFFF;
	(pc) =	sbr.rel @!p1 .LBB2_9-.Ltmp1, $4  }
0x1c: {  	[hbm:s9], [sflag:s6] =	dma.local [spmem:s11], $0x2800  }
0x1d: {  	_ =	swait.ge [sflag:s12], $0x2800  }
0x1e: {  	[sflag:s12] =	ssyncset.done $0x0  }
0x1f: {  	[sflag:s12] =	ssyncadd.s32 $0xFFFFD800  }
.LBB2_1:
0x20: {  	[spmem:s11], [sflag:s6] =	dma.local [hbm:s5], $0x2800  }
0x21: {  	_ =	swait.ge [sflag:s12], $0x2800  }
0x22: {  	[sflag:s12] =	ssyncset.done $0x0  }
0x23: {  	[sflag:s12] =	ssyncadd.s32 $0xFFFFD800  }
0x24: {  	[tilespmem:s13], [sflag:$0x2] =	stream.linear.gather [hbm4b:s7+s3], $0x3400, $0x38;
	[tilespmem:$0x1E800] =	vst v63  }
0x25: {  	_ =	swait.ge [sflag:s12], $0x3400  }
0x26: {  	[sflag:s12] =	ssyncset.done $0x0  }
0x27: {  	[sflag:s12] =	ssyncadd.s32 $0xFFFFCC00  }
0x28: {  	[tilespmem:s14], [sflag:$0x2] =	stream.linear.gather [hbm4b:s8+s3], $0x3400, $0x38;
	[tilespmem:$0x1E800] =	vst v63  }
.Ltmp2:
0x29: {  	_ =	swait.ge [sflag:s12], $0x3400;
	(pc) =	sbr.rel @!p0 .LBB2_2-.Ltmp2, $4  }
0x2a: {  	[sflag:s12] =	ssyncset.done $0x0  }
0x2b: {  	[sflag:s12] =	ssyncadd.s32 $0xFFFFCC00  }
0x2c: {  	[bflag:$0x0] =	sbarrier.arrive $0xFFFF  }
0x2d: {  	s19 =	simm.s32 $0x14000  }
0x2e: {  	[tilespmem:s16], [sflag:$0x1] =	stream.indirect.gather [hbm4b:s4+s15], $0x80, s19, s15, $0xb8;
	[tilespmem:$0x1E800] =	vst v63  }
0x2f: {  	_ =	swait.ge [sflag:s17], $0x4000  }
0x30: {  	[sflag:s17] =	ssyncset.done $0x0  }
0x31: {  	s31 =	simm.s32 $0x17400;
	[sflag:s17] =	ssyncadd.s32 $0xFFFFC000  }
0x32: {  	[spmem:s2] =	stream.indirect.scatter.add.f32 [tilespmem:s16], [sflag:$0x2], $0x80, s31, s15, $0xb8;
	[tilespmem:$0x1E800] =	vst v63  }
0x33: {  	_ =	swait.ge [sflag:s12], $0x4000  }
0x34: {  	s20 =	simm.s32 $0x400;
	s19 =	simm.s32 $0x80;
	[sflag:s12] =	ssyncset.done $0x0  }
.LBB2_6:
0x35: {  	s21 =	sadd.s32 $0x14000, s19  }
0x36: {  	[sflag:s12] =	ssyncadd.s32 $0xFFFFC000;
	s22 =	smov.u32 s20;
	s23 =	sadd.s32 $0x200, s20  }
0x37: {  	[tilespmem:s16], [sflag:$0x1] =	stream.indirect.gather [hbm4b:s4+s15], $0x80, s21, s15, $0xb8;
	[tilespmem:$0x1E800] =	vst v63  }
0x38: {  	p1 =	sne.s32 s20, $0x6800;
	_ =	swait.ge [sflag:s17], $0x4000  }
.Ltmp3:
0x39: {  	[sflag:s17] =	ssyncset.done $0x0;
	(pc) =	sbr.rel @p1 .LBB2_6-.Ltmp3, $4  }
0x3a: {  	s19 =	sadd.s32 $0x17400, s19;
	[sflag:s17] =	ssyncadd.s32 $0xFFFFC000  }
0x3b: {  	[spmem:s2] =	stream.indirect.scatter.add.f32 [tilespmem:s16], [sflag:$0x2], $0x80, s19, s15, $0xb8;
	[tilespmem:$0x1E800] =	vst v63  }
0x3c: {  	_ =	swait.ge [sflag:s12], $0x4000  }
0x3d: {  	s20 =	smov.u32 s23;
	s19 =	sshra.s32 s22, $0x2;
	[sflag:s12] =	ssyncset.done $0x0  }
.Ltmp4:
0x3e: {  	_ = 	snop;
	(pc) =	sbr.rel .LBB2_7-.Ltmp4, $1  }
0x3f: {  	_ =	sdelay $0x3  }
.LBB2_2:
0x40: {  	[tilespmem:s16], [sflag:$0x1] =	stream.indirect.gather [hbm4b:s4+s15], $0x80, s19, s15, $0xb8;
	[tilespmem:$0x1E800] =	vst v63  }
0x41: {  	_ =	swait.ge [sflag:s17], $0x4000  }
0x42: {  	[sflag:s17] =	ssyncset.done $0x0  }
0x43: {  	s31 =	simm.s32 $0x17400;
	[sflag:s17] =	ssyncadd.s32 $0xFFFFC000  }
0x44: {  	[spmem:s2] =	stream.indirect.scatter.add.f32 [tilespmem:s16], [sflag:$0x2], $0x80, s31, s15, $0xb8;
	[tilespmem:$0x1E800] =	vst v63  }
0x45: {  	_ =	swait.ge [sflag:s12], $0x4000  }
0x46: {  	s20 =	simm.s32 $0x400;
	s19 =	simm.s32 $0x80;
	[sflag:s12] =	ssyncset.done $0x0  }
.LBB2_3:
0x47: {  	s21 =	sadd.s32 $0x14000, s19  }
0x48: {  	[sflag:s12] =	ssyncadd.s32 $0xFFFFC000;
	s22 =	smov.u32 s20;
	s23 =	sadd.s32 $0x200, s20  }
0x49: {  	[tilespmem:s16], [sflag:$0x1] =	stream.indirect.gather [hbm4b:s4+s15], $0x80, s21, s15, $0xb8;
	[tilespmem:$0x1E800] =	vst v63  }
0x4a: {  	p1 =	seq.s32 s20, $0xCE00;
	_ =	swait.ge [sflag:s17], $0x4000  }
.Ltmp5:
0x4b: {  	[sflag:s17] =	ssyncset.done $0x0;
	(pc) =	sbr.rel @!p1 .LBB2_3-.Ltmp5, $4  }
0x4c: {  	s19 =	sadd.s32 $0x17400, s19;
	[sflag:s17] =	ssyncadd.s32 $0xFFFFC000  }
0x4d: {  	[spmem:s2] =	stream.indirect.scatter.add.f32 [tilespmem:s16], [sflag:$0x2], $0x80, s19, s15, $0xb8;
	[tilespmem:$0x1E800] =	vst v63  }
0x4e: {  	_ =	swait.ge [sflag:s12], $0x4000  }
0x4f: {  	s20 =	smov.u32 s23;
	s19 =	sshra.s32 s22, $0x2;
	[sflag:s12] =	ssyncset.done $0x0  }
0x50: {  	s20 =	sadd.s32 $0x14000, s19;
	[sflag:s12] =	ssyncadd.s32 $0xFFFFC000  }
0x51: {  	[tilespmem:s16], [sflag:$0x1] =	stream.indirect.gather [hbm4b:s4+s15], $0x80, s20, s15, $0xb8;
	[tilespmem:$0x1E800] =	vst v63  }
0x52: {  	_ =	swait.ge [sflag:s17], $0x4000  }
0x53: {  	[sflag:s17] =	ssyncset.done $0x0  }
.Ltmp6:
0x54: {  	s31 =	sadd.s32 $0x17400, s19;
	[sflag:s17] =	ssyncadd.s32 $0xFFFFC000;
	(pc) =	sbr.rel .LBB2_8-.Ltmp6, $4  }
0x55: {  	[spmem:s2] =	stream.indirect.scatter.add.f32 [tilespmem:s16], [sflag:$0x2], $0x80, s31, s15, $0xb8;
	[tilespmem:$0x1E800] =	vst v63  }
0x56: {  	_ =	swait.ge [sflag:s12], $0x4000  }
0x57: {  	[sflag:s12] =	ssyncset.done $0x0  }
0x58: {  	[sflag:s12] =	ssyncadd.s32 $0xFFFFC000  }
.LBB2_9:
0x59: {  	_ =	sfence.sel $0x180000  }
0x5a: {  	[bflag:$0x0] =	sbarrier.arrive $0xFFFF  }
0x5b: {  	p0 =	sne.s32 s0, $0x0;
	_ =	strace $0x90000050  }
0x5c: {  	s0 =	sadd.s32 @!p0 $0x100000, s1;
	[bflag:$0x2] =	sbarrier.arrive $0xFFFF  }
0x5d: {  	[sflag:s0] =	ssyncadd.tile.s32 @!p0 $0x1;
	_ =	shalt  }
.Lfunc_end2:
_tile_overlayer_lowered:
.L_overlay_start_2:
0x5e: {  	(tag) =	ssettag $0x2  }
0x5f: {  	s0 =	rddreg [dreg:$0x0];
	s2 =	stileid.u32  }
0x60: {  	s1 =	rddreg [dreg:$0x1];
	p0 =	sne.s32 s2, $0x0  }
0x61: {  	s3 =	rddreg [dreg:$0x2];
	[bflag:$0x3] =	sbarrier.arrive $0xFFFF;
	s2 =	simm.s32 @!p0 $0x1C02  }
0x62: {  	[timem:s3], [sflag:s2] =	dma.local @!p0 [hbm:s0], s1  }
0x63: {  	s0 =	simm.s32 @!p0 $0x2  }
0x64: {  	_ =	swait.ge @!p0 [sflag:s0], s1  }
0x65: {  	s1 =	ssub.s32 @!p0 $0x0, s1;
	[sflag:s0] =	ssyncset.done @!p0 $0x0  }
0x66: {  	[sflag:s0] =	ssyncadd.s32 @!p0 s1  }
0x67: {  	[bflag:$0x3] =	sbarrier.arrive $0xFFFF  }
0x68: {  	_ =	shalt  }

</sc_bundles>
